<compile_context>
chip_gen: v7x
topology: tpu7x:2x2x1
jax: 0.10.2.dev20260603
libtpu: 0.0.44.dev20260713+nightly
codegen_flags: <defaults>
</compile_context>

<pallas_src>
import dataclasses
import functools

import jax
import jax.numpy as jnp
from jax import lax
from jax.experimental import pallas as pl
from jax.experimental.pallas import tpu as pltpu
from jax.experimental.pallas import tpu_sc as plsc

BINS = 30
NC = 2
NS = 16
L = 16
NW = NC * NS
ROWS = 4096
COLS = 16384


def _sc_compiler_params():
    cp = pltpu.CompilerParams()
    if "needs_layout_passes" in pltpu.CompilerParams.__dataclass_fields__:
        cp = dataclasses.replace(cp, needs_layout_passes=False)
    return cp


def _sc_histogram(x2d):
    mesh = plsc.VectorSubcoreMesh(core_axis_name="c", subcore_axis_name="s")

    @functools.partial(
        pl.kernel,
        out_type=jax.ShapeDtypeStruct((NW, BINS, L), jnp.int32),
        mesh=mesh,
        scratch_types=[pltpu.VMEM((BINS, L), jnp.int32)],
        compiler_params=_sc_compiler_params(),
    )
    def hist_kernel(x_hbm, out_hbm, hist):
        lane = lax.iota(jnp.int32, L)
        ones = jnp.ones((L,), jnp.int32)

        @pl.loop(0, BINS)
        def _(b):
            hist[b, :] = jnp.zeros((L,), jnp.int32)

        def body(blk):
            @pl.loop(0, COLS, step=L, unroll=16)
            def _(i):
                x = blk[0, pl.ds(i, L)]
                t = (x + jnp.float32(1.000001)) * jnp.float32(14.5)
                idx = t.astype(jnp.int32)
                plsc.addupdate_scatter(hist, [idx, lane], ones)

        pltpu.emit_pipeline(
            body,
            grid=(ROWS,),
            in_specs=[pl.BlockSpec((1, COLS), lambda i: (i, 0))],
            core_axis_name=("c", "s"),
            dimension_semantics=(pltpu.PARALLEL,),
        )(x_hbm)

        wid = lax.axis_index("c") * NS + lax.axis_index("s")
        pltpu.sync_copy(hist, out_hbm.at[wid])

    return hist_kernel(x2d)


def _tc_finish(partials):
    def body(c_ref, o_ref):
        counts = jnp.sum(c_ref[...], axis=(0, 2))
        o_ref[...] = jnp.log(counts.astype(jnp.float32) + jnp.float32(1e-5))

    return pl.pallas_call(
        body,
        out_shape=jax.ShapeDtypeStruct((BINS,), jnp.float32),
    )(partials)


def kernel(sim_data):
    x2d = sim_data.reshape(ROWS, COLS)
    partials = _sc_histogram(x2d)
    return _tc_finish(partials)

# --- scband reference (transcript-rebuilt; emitter-appended) ---
"""Pipeline reference for scband-drmmkernel-27805618275285 (READ-ONLY COPY).

The authoritative reference and input builder live on the scoring server;
editing this copy changes nothing except your own understanding.
"""

import jax, jax.numpy as jnp
import numpy as np

BINS = 30

def setup_inputs(seed: int = 0) -> dict:
    key = jax.random.key(seed)
    # sim_data: cosine similarities in [-1, 1]; uniform [0,1) is a valid in-range subset
    sim_data = jax.random.uniform(key, (8192, 8192), dtype=jnp.float32)
    return {"sim_data": sim_data}

def reference(sim_data):
    # bins = ((sim_data + 1.000001) / 2.0 * (bins - 1)).int()
    idx = ((sim_data + 1.000001) / 2.0 * (BINS - 1)).astype(jnp.int32)
    # torch.bincount(flatten, minlength=bins) -> jnp.bincount with fixed length
    counts = jnp.bincount(idx.flatten(), length=BINS)
    return jnp.log(counts.astype(jnp.float32) + 1e-05)

if __name__ == "__main__":
    import jax
    _d = setup_inputs()
    print(jax.jit(kernel)(*tuple(_d.values())))

</pallas_src>

<mosaic_0001>
#map = affine_map<(d0, d1) -> (0, 0)>
#map1 = affine_map<(d0, d1) -> (0, 0, 0)>
module attributes {stable_mosaic.version = 14 : i64} {
  func.func @hist_kernel(%arg0: i32, %arg1: i32, %arg2: memref<4096x16384xf32, #tpu.memory_space<hbm>>, %arg3: memref<32x30x16xi32, #tpu.memory_space<hbm>>, %arg4: memref<30x16xi32, #tpu.memory_space<vmem>>) attributes {dimension_semantics = [#tpu.dimension_semantics<core_parallel>, #tpu.dimension_semantics<subcore_parallel>], iteration_bounds = array<i64: 2, 16>, scalar_prefetch = 0 : i64, scratch_operands = 1 : i64, tpu.core_type = #tpu.core_type<sc_vector_subcore>, window_params = [{transform_indices = #map}, {transform_indices = #map1}]} {
    %iota3A = tpu.iota {dimensions = array<i32: 0>} : vector<16xi32>
    %broadcast_in_dim3A = arith.constant 1 : i32
    %broadcast_in_dim3A_0 = vector.broadcast %broadcast_in_dim3A : i32 to vector<16xi32>
    %scan3A = arith.constant 0 : i32
    %scan3A_1 = arith.constant 30 : i32
    %scan3A_2 = arith.addi %scan3A, %scan3A_1 : i32
    %scan3A_3 = arith.constant 1 : i32
    scf.for %scan3A_15 = %scan3A to %scan3A_2 step %scan3A_3  : i32 {
      %mul3A_16 = arith.constant 1 : i32
      %mul3A_17 = arith.muli %scan3A_15, %mul3A_16 : i32
      %add3A_18 = arith.constant 0 : i32
      %add3A_19 = arith.addi %add3A_18, %mul3A_17 : i32
      %broadcast_in_dim3A_20 = arith.constant 0 : i32
      %broadcast_in_dim3A_21 = vector.broadcast %broadcast_in_dim3A_20 : i32 to vector<16xi32>
      %swap3A = arith.index_cast %add3A_19 : i32 to index
      %swap3A_22 = arith.constant 0 : index
      %swap3A_23 = tpu.vector_load %arg4[%swap3A, %swap3A_22] {strides = array<i32>} : memref<30x16xi32, #tpu.memory_space<vmem>>, vector<16xi32>,
      tpu.vector_store %arg4[%swap3A, %swap3A_22], %broadcast_in_dim3A_21 {strides = array<i32>} : memref<30x16xi32, #tpu.memory_space<vmem>>, vector<16xi32>,
    }
    %scan3A_4 = arith.constant 30 : i32
    %mul3A = arith.constant 1 : i32
    %mul3A_5 = arith.muli %arg1, %mul3A : i32
    %add3A = arith.constant 0 : i32
    %add3A_6 = arith.addi %add3A, %mul3A_5 : i32
    %mul3A_7 = arith.constant 16 : i32
    %mul3A_8 = arith.muli %arg0, %mul3A_7 : i32
    %add3A_9 = arith.addi %add3A_6, %mul3A_8 : i32
    %mul3A_10 = arith.constant 128 : i32
    %mul3A_11 = arith.muli %add3A_9, %mul3A_10 : i32
    "tpu.region"() ({
      %run_scoped3A = memref.alloca() : memref<2x1x16384xf32, #tpu.memory_space<vmem>>
      %run_scoped3A_15 = tpu.sem_alloc : memref<2x!tpu.dma_semaphore, #tpu.memory_space<semaphore_mem>>
      %add3A_16 = arith.constant 0 : i32
      %add3A_17 = arith.addi %add3A_16, %mul3A_11 : i32
      %select_n3A = arith.constant true
      %select_n3A_18 = arith.constant 0 : i32
      %select_n3A_19 = arith.constant -1 : i32
      %select_n3A_20 = arith.select %select_n3A, %select_n3A_19, %select_n3A_18 : i32
      %eq3A = arith.constant -1 : i32
      %eq3A_21 = arith.cmpi eq, %select_n3A_20, %eq3A : i32
      %select_n3A_22 = arith.constant 127 : i32
      %select_n3A_23 = arith.select %eq3A_21, %select_n3A_22, %select_n3A_20 : i32
      %add3A_24 = arith.addi %select_n3A_23, %mul3A_11 : i32
      %select_n3A_25 = arith.constant true
      %select_n3A_26 = arith.constant 0 : i32
      %select_n3A_27 = arith.constant 1 : i32
      %select_n3A_28 = arith.select %select_n3A_25, %select_n3A_27, %select_n3A_26 : i32
      %eq3A_29 = arith.constant 128 : i32
      %eq3A_30 = arith.cmpi eq, %select_n3A_28, %eq3A_29 : i32
      %select_n3A_31 = arith.constant 0 : i32
      %select_n3A_32 = arith.select %eq3A_30, %select_n3A_31, %select_n3A_28 : i32
      %add3A_33 = arith.addi %select_n3A_32, %mul3A_11 : i32
      %add3A_34 = arith.constant 1 : i32
      %add3A_35 = arith.addi %select_n3A_32, %add3A_34 : i32
      %select_n3A_36 = arith.constant true
      %select_n3A_37 = arith.select %select_n3A_36, %add3A_35, %select_n3A_32 : i32
      %eq3A_38 = arith.constant 128 : i32
      %eq3A_39 = arith.cmpi eq, %select_n3A_37, %eq3A_38 : i32
      %select_n3A_40 = arith.constant 0 : i32
      %select_n3A_41 = arith.select %eq3A_39, %select_n3A_40, %select_n3A_37 : i32
      %add3A_42 = arith.addi %select_n3A_41, %mul3A_11 : i32
      "tpu.trace_start"() <{level = 10 : i32, message = "ep_initialize_0"}> : () -> ()
      %rem3A = arith.constant 0 : i32
      %rem3A_43 = arith.constant 2 : i32
      %rem3A_44 = arith.remui %rem3A, %rem3A_43 : i32
      %mul3A_45 = arith.constant 1 : i32
      %mul3A_46 = arith.muli %mul3A_45, %add3A_17 : i32
      %dma_start3A = arith.constant 0 : i32
      %dma_start3A_47 = arith.constant 0 : i32
      %dma_start3A_48 = tpu.memref_slice %run_scoped3A[%rem3A_44, %dma_start3A, %dma_start3A_47] : memref<2x1x16384xf32, #tpu.memory_space<vmem>> -> memref<1x1x16384xf32, #tpu.memory_space<vmem>>
      %dma_start3A_49 = tpu.memref_squeeze %dma_start3A_48 : memref<1x1x16384xf32, #tpu.memory_space<vmem>> -> memref<1x16384xf32, #tpu.memory_space<vmem>>
      %dma_start3A_50 = arith.constant 0 : i32
      %dma_start3A_51 = tpu.memref_slice %arg2[%mul3A_46, %dma_start3A_50] : memref<4096x16384xf32, #tpu.memory_space<hbm>> -> memref<1x16384xf32, #tpu.memory_space<hbm>>
      %dma_start3A_52 = tpu.memref_slice %run_scoped3A_15[%rem3A_44] : memref<2x!tpu.dma_semaphore, #tpu.memory_space<semaphore_mem>> -> memref<1x!tpu.dma_semaphore, #tpu.memory_space<semaphore_mem>>
      %dma_start3A_53 = tpu.memref_squeeze %dma_start3A_52 : memref<1x!tpu.dma_semaphore, #tpu.memory_space<semaphore_mem>> -> memref<!tpu.dma_semaphore, #tpu.memory_space<semaphore_mem>>
      %dma_start3A_54 = arith.constant 0 : i32
      %dma_start3A_55 = arith.constant 0 : i32
      %dma_start3A_56 = tpu.memref_slice %run_scoped3A[%rem3A_44, %dma_start3A_54, %dma_start3A_55] : memref<2x1x16384xf32, #tpu.memory_space<vmem>> -> memref<1x1x16384xf32, #tpu.memory_space<vmem>>
      %dma_start3A_57 = tpu.memref_squeeze %dma_start3A_56 : memref<1x1x16384xf32, #tpu.memory_space<vmem>> -> memref<1x16384xf32, #tpu.memory_space<vmem>>
      %dma_start3A_58 = arith.constant 0 : i32
      %dma_start3A_59 = tpu.memref_slice %arg2[%mul3A_46, %dma_start3A_58] : memref<4096x16384xf32, #tpu.memory_space<hbm>> -> memref<1x16384xf32, #tpu.memory_space<hbm>>
      tpu.enqueue_dma source(%dma_start3A_59 : memref<1x16384xf32, #tpu.memory_space<hbm>>) target(%dma_start3A_57 : memref<1x16384xf32, #tpu.memory_space<vmem>>) target_semaphore(%dma_start3A_53 : memref<!tpu.dma_semaphore, #tpu.memory_space<semaphore_mem>>)
      %add3A_60 = arith.constant 0 : i32
      %add3A_61 = arith.constant 1 : i32
      %add3A_62 = arith.addi %add3A_60, %add3A_61 : i32
      %select_n3A_63 = arith.constant true
      %select_n3A_64 = arith.constant 0 : i32
      %select_n3A_65 = arith.select %select_n3A_63, %add3A_62, %select_n3A_64 : i32
      "tpu.trace_stop"() : () -> ()
      %scan3A_66 = arith.constant 0 : i32
      %scan3A_67 = arith.constant 0 : i32
      %scan3A_68 = arith.constant 0 : i32
      %scan3A_69 = arith.constant 128 : i32
      %scan3A_70 = arith.addi %scan3A_68, %scan3A_69 : i32
      %scan3A_71 = arith.constant 1 : i32
      %scan3A_72:3 = scf.for %scan3A_109 = %scan3A_68 to %scan3A_70 step %scan3A_71 iter_args(%scan3A_110 = %select_n3A_65, %scan3A_111 = %scan3A_66, %scan3A_112 = %scan3A_67) -> (i32, i32, i32)  : i32 {
        %eq3A_113 = arith.constant 0 : i32
        %eq3A_114 = arith.cmpi eq, %scan3A_109, %eq3A_113 : i32
        %eq3A_115 = arith.constant 127 : i32
        %eq3A_116 = arith.cmpi eq, %scan3A_109, %eq3A_115 : i32
        %add3A_117 = arith.addi %scan3A_112, %mul3A_11 : i32
        %sub3A_118 = arith.constant 1 : i32
        %sub3A_119 = arith.subi %scan3A_112, %sub3A_118 : i32
        %select_n3A_120 = arith.constant true
        %select_n3A_121 = arith.select %select_n3A_120, %sub3A_119, %scan3A_112 : i32
        %eq3A_122 = arith.constant -1 : i32
        %eq3A_123 = arith.cmpi eq, %select_n3A_121, %eq3A_122 : i32
        %select_n3A_124 = arith.constant 127 : i32
        %select_n3A_125 = arith.select %eq3A_123, %select_n3A_124, %select_n3A_121 : i32
        %add3A_126 = arith.addi %select_n3A_125, %mul3A_11 : i32
        %add3A_127 = arith.constant 1 : i32
        %add3A_128 = arith.addi %scan3A_112, %add3A_127 : i32
        %select_n3A_129 = arith.constant true
        %select_n3A_130 = arith.select %select_n3A_129, %add3A_128, %scan3A_112 : i32
        %eq3A_131 = arith.constant 128 : i32
        %eq3A_132 = arith.cmpi eq, %select_n3A_130, %eq3A_131 : i32
        %select_n3A_133 = arith.constant 0 : i32
        %select_n3A_134 = arith.select %eq3A_132, %select_n3A_133, %select_n3A_130 : i32
        %add3A_135 = arith.addi %select_n3A_134, %mul3A_11 : i32
        %add3A_136 = arith.constant 1 : i32
        %add3A_137 = arith.addi %select_n3A_134, %add3A_136 : i32
        %select_n3A_138 = arith.constant true
        %select_n3A_139 = arith.select %select_n3A_138, %add3A_137, %select_n3A_134 : i32
        %eq3A_140 = arith.constant 128 : i32
        %eq3A_141 = arith.cmpi eq, %select_n3A_139, %eq3A_140 : i32
        %select_n3A_142 = arith.constant 0 : i32
        %select_n3A_143 = arith.select %eq3A_141, %select_n3A_142, %select_n3A_139 : i32
        %add3A_144 = arith.addi %select_n3A_143, %mul3A_11 : i32
        %ne3A = arith.cmpi ne, %add3A_117, %add3A_135 : i32
        %or3A = arith.constant false
        %or3A_145 = arith.ori %or3A, %ne3A : i1
        %or3A_146 = arith.constant false
        %or3A_147 = arith.ori %or3A_145, %or3A_146 : i1
        %ge3A = arith.constant 127 : i32
        %ge3A_148 = arith.cmpi sge, %scan3A_109, %ge3A : i32
        %not3A = arith.constant true
        %not3A_149 = arith.xori %ge3A_148, %not3A : i1
        %and3A = arith.andi %or3A_147, %not3A_149 : i1
        %convert_element_type3A = arith.extui %and3A : i1 to i32
        %cond3A = arith.constant 0 : i32
        %cond3A_150 = arith.cmpi ne, %convert_element_type3A, %cond3A : i32
        scf.if %cond3A_150 {
          "tpu.trace_start"() <{level = 10 : i32, message = "ep_copy_in"}> : () -> ()
          %rem3A_213 = arith.constant 2 : i32
          %rem3A_214 = arith.remui %scan3A_110, %rem3A_213 : i32
          %mul3A_215 = arith.constant 1 : i32
          %mul3A_216 = arith.muli %mul3A_215, %add3A_135 : i32
          %dma_start3A_217 = arith.constant 0 : i32
          %dma_start3A_218 = arith.constant 0 : i32
          %dma_start3A_219 = tpu.memref_slice %run_scoped3A[%rem3A_214, %dma_start3A_217, %dma_start3A_218] : memref<2x1x16384xf32, #tpu.memory_space<vmem>> -> memref<1x1x16384xf32, #tpu.memory_space<vmem>>
          %dma_start3A_220 = tpu.memref_squeeze %dma_start3A_219 : memref<1x1x16384xf32, #tpu.memory_space<vmem>> -> memref<1x16384xf32, #tpu.memory_space<vmem>>
          %dma_start3A_221 = arith.constant 0 : i32
          %dma_start3A_222 = tpu.memref_slice %arg2[%mul3A_216, %dma_start3A_221] : memref<4096x16384xf32, #tpu.memory_space<hbm>> -> memref<1x16384xf32, #tpu.memory_space<hbm>>
          %dma_start3A_223 = tpu.memref_slice %run_scoped3A_15[%rem3A_214] : memref<2x!tpu.dma_semaphore, #tpu.memory_space<semaphore_mem>> -> memref<1x!tpu.dma_semaphore, #tpu.memory_space<semaphore_mem>>
          %dma_start3A_224 = tpu.memref_squeeze %dma_start3A_223 : memref<1x!tpu.dma_semaphore, #tpu.memory_space<semaphore_mem>> -> memref<!tpu.dma_semaphore, #tpu.memory_space<semaphore_mem>>
          %dma_start3A_225 = arith.constant 0 : i32
          %dma_start3A_226 = arith.constant 0 : i32
          %dma_start3A_227 = tpu.memref_slice %run_scoped3A[%rem3A_214, %dma_start3A_225, %dma_start3A_226] : memref<2x1x16384xf32, #tpu.memory_space<vmem>> -> memref<1x1x16384xf32, #tpu.memory_space<vmem>>
          %dma_start3A_228 = tpu.memref_squeeze %dma_start3A_227 : memref<1x1x16384xf32, #tpu.memory_space<vmem>> -> memref<1x16384xf32, #tpu.memory_space<vmem>>
          %dma_start3A_229 = arith.constant 0 : i32
          %dma_start3A_230 = tpu.memref_slice %arg2[%mul3A_216, %dma_start3A_229] : memref<4096x16384xf32, #tpu.memory_space<hbm>> -> memref<1x16384xf32, #tpu.memory_space<hbm>>
          tpu.enqueue_dma source(%dma_start3A_230 : memref<1x16384xf32, #tpu.memory_space<hbm>>) target(%dma_start3A_228 : memref<1x16384xf32, #tpu.memory_space<vmem>>) target_semaphore(%dma_start3A_224 : memref<!tpu.dma_semaphore, #tpu.memory_space<semaphore_mem>>)
          "tpu.trace_stop"() : () -> ()
        } else {
        }
        %and3A_151 = arith.constant true
        %and3A_152 = arith.andi %and3A, %and3A_151 : i1
        %add3A_153 = arith.constant 1 : i32
        %add3A_154 = arith.addi %scan3A_110, %add3A_153 : i32
        %select_n3A_155 = arith.select %and3A_152, %add3A_154, %scan3A_110 : i32
        %ne3A_156 = arith.cmpi ne, %add3A_117, %add3A_126 : i32
        %or3A_157 = arith.constant false
        %or3A_158 = arith.ori %or3A_157, %ne3A_156 : i1
        %or3A_159 = arith.constant false
        %or3A_160 = arith.ori %or3A_158, %or3A_159 : i1
        %or3A_161 = arith.ori %or3A_160, %eq3A_114 : i1
        %convert_element_type3A_162 = arith.extui %or3A_161 : i1 to i32
        %cond3A_163 = arith.constant 0 : i32
        %cond3A_164 = arith.cmpi ne, %convert_element_type3A_162, %cond3A_163 : i32
        scf.if %cond3A_164 {
          "tpu.trace_start"() <{level = 10 : i32, message = "ep_wait_in"}> : () -> ()
          %mul3A_213 = arith.constant 1 : i32
          %mul3A_214 = arith.muli %mul3A_213, %add3A_117 : i32
          %rem3A_215 = arith.constant 2 : i32
          %rem3A_216 = arith.remui %scan3A_111, %rem3A_215 : i32
          %dma_wait3A = arith.constant 0 : i32
          %dma_wait3A_217 = arith.constant 0 : i32
          %dma_wait3A_218 = tpu.memref_slice %run_scoped3A[%rem3A_216, %dma_wait3A, %dma_wait3A_217] : memref<2x1x16384xf32, #tpu.memory_space<vmem>> -> memref<1x1x16384xf32, #tpu.memory_space<vmem>>
          %dma_wait3A_219 = tpu.memref_squeeze %dma_wait3A_218 : memref<1x1x16384xf32, #tpu.memory_space<vmem>> -> memref<1x16384xf32, #tpu.memory_space<vmem>>
          %dma_wait3A_220 = arith.constant 0 : i32
          %dma_wait3A_221 = tpu.memref_slice %arg2[%mul3A_214, %dma_wait3A_220] : memref<4096x16384xf32, #tpu.memory_space<hbm>> -> memref<1x16384xf32, #tpu.memory_space<hbm>>
          %dma_wait3A_222 = tpu.memref_slice %run_scoped3A_15[%rem3A_216] : memref<2x!tpu.dma_semaphore, #tpu.memory_space<semaphore_mem>> -> memref<1x!tpu.dma_semaphore, #tpu.memory_space<semaphore_mem>>
          %dma_wait3A_223 = tpu.memref_squeeze %dma_wait3A_222 : memref<1x!tpu.dma_semaphore, #tpu.memory_space<semaphore_mem>> -> memref<!tpu.dma_semaphore, #tpu.memory_space<semaphore_mem>>
          %dma_wait3A_224 = arith.constant 0 : i32
          %dma_wait3A_225 = arith.constant 0 : i32
          %dma_wait3A_226 = tpu.memref_slice %run_scoped3A[%rem3A_216, %dma_wait3A_224, %dma_wait3A_225] : memref<2x1x16384xf32, #tpu.memory_space<vmem>> -> memref<1x1x16384xf32, #tpu.memory_space<vmem>>
          %dma_wait3A_227 = tpu.memref_squeeze %dma_wait3A_226 : memref<1x1x16384xf32, #tpu.memory_space<vmem>> -> memref<1x16384xf32, #tpu.memory_space<vmem>>
          %dma_wait3A_228 = arith.constant 0 : i32
          %dma_wait3A_229 = tpu.memref_slice %arg2[%mul3A_214, %dma_wait3A_228] : memref<4096x16384xf32, #tpu.memory_space<hbm>> -> memref<1x16384xf32, #tpu.memory_space<hbm>>
          tpu.wait_dma2 semaphore(%dma_wait3A_223 : memref<!tpu.dma_semaphore, #tpu.memory_space<semaphore_mem>>) src(%dma_wait3A_229 : memref<1x16384xf32, #tpu.memory_space<hbm>>) dst(%dma_wait3A_227 : memref<1x16384xf32, #tpu.memory_space<vmem>>)
          "tpu.trace_stop"() : () -> ()
        } else {
        }
        %rem3A_165 = arith.constant 2 : i32
        %rem3A_166 = arith.remui %scan3A_111, %rem3A_165 : i32
        "tpu.trace_start"() <{level = 10 : i32, message = "ep_run_kernel"}> : () -> ()
        %scan3A_167 = arith.constant 0 : i32
        %scan3A_168 = arith.constant 1024 : i32
        %scan3A_169 = arith.addi %scan3A_167, %scan3A_168 : i32
        %scan3A_170 = arith.constant 16 : i32
        scf.for %scan3A_213 = %scan3A_167 to %scan3A_169 step %scan3A_170  : i32 {
          %mul3A_214 = arith.constant 16 : i32
          %mul3A_215 = arith.muli %scan3A_213, %mul3A_214 : i32
          %add3A_216 = arith.constant 0 : i32
          %add3A_217 = arith.addi %add3A_216, %mul3A_215 : i32
          %get3A = arith.constant 0 : i32
          %get3A_218 = arith.constant 0 : i32
          %get3A_219 = arith.constant 0 : i32
          %get3A_220 = tpu.memref_slice %run_scoped3A[%rem3A_166, %get3A_218, %get3A_219] : memref<2x1x16384xf32, #tpu.memory_space<vmem>> -> memref<1x1x16384xf32, #tpu.memory_space<vmem>>
          %get3A_221 = tpu.memref_squeeze %get3A_220 : memref<1x1x16384xf32, #tpu.memory_space<vmem>> -> memref<1x16384xf32, #tpu.memory_space<vmem>>
          %get3A_222 = arith.index_cast %get3A : i32 to index
          %get3A_223 = arith.index_cast %add3A_217 : i32 to index
          %get3A_224 = tpu.vector_load %get3A_221[%get3A_222, %get3A_223] {strides = array<i32>} : memref<1x16384xf32, #tpu.memory_space<vmem>>, vector<16xf32>,
          %add3A_225 = arith.constant 1.00000095 : f32
          %add3A_226 = vector.broadcast %add3A_225 : f32 to vector<16xf32>
          %add3A_227 = arith.addf %get3A_224, %add3A_226 : vector<16xf32>
          %mul3A_228 = arith.constant 1.450000e+01 : f32
          %mul3A_229 = vector.broadcast %mul3A_228 : f32 to vector<16xf32>
          %mul3A_230 = arith.mulf %add3A_227, %mul3A_229 : vector<16xf32>
          %convert_element_type3A_231 = arith.fptosi %mul3A_230 : vector<16xf32> to vector<16xi32>
          tpu.vector_store_idx %arg4[%convert_element_type3A_231, %iota3A], %broadcast_in_dim3A_0 {add = true} : memref<30x16xi32, #tpu.memory_space<vmem>>[vector<16xi32>, vector<16xi32>], vector<16xi32>,
          %scan3A_232 = arith.constant 1 : i32
          %scan3A_233 = arith.addi %scan3A_213, %scan3A_232 : i32
          %mul3A_234 = arith.constant 16 : i32
          %mul3A_235 = arith.muli %scan3A_233, %mul3A_234 : i32
          %add3A_236 = arith.constant 0 : i32
          %add3A_237 = arith.addi %add3A_236, %mul3A_235 : i32
          %get3A_238 = arith.constant 0 : i32
          %get3A_239 = arith.constant 0 : i32
          %get3A_240 = arith.constant 0 : i32
          %get3A_241 = tpu.memref_slice %run_scoped3A[%rem3A_166, %get3A_239, %get3A_240] : memref<2x1x16384xf32, #tpu.memory_space<vmem>> -> memref<1x1x16384xf32, #tpu.memory_space<vmem>>
          %get3A_242 = tpu.memref_squeeze %get3A_241 : memref<1x1x16384xf32, #tpu.memory_space<vmem>> -> memref<1x16384xf32, #tpu.memory_space<vmem>>
          %get3A_243 = arith.index_cast %get3A_238 : i32 to index
          %get3A_244 = arith.index_cast %add3A_237 : i32 to index
          %get3A_245 = tpu.vector_load %get3A_242[%get3A_243, %get3A_244] {strides = array<i32>} : memref<1x16384xf32, #tpu.memory_space<vmem>>, vector<16xf32>,
          %add3A_246 = arith.constant 1.00000095 : f32
          %add3A_247 = vector.broadcast %add3A_246 : f32 to vector<16xf32>
          %add3A_248 = arith.addf %get3A_245, %add3A_247 : vector<16xf32>
          %mul3A_249 = arith.constant 1.450000e+01 : f32
          %mul3A_250 = vector.broadcast %mul3A_249 : f32 to vector<16xf32>
          %mul3A_251 = arith.mulf %add3A_248, %mul3A_250 : vector<16xf32>
          %convert_element_type3A_252 = arith.fptosi %mul3A_251 : vector<16xf32> to vector<16xi32>
          tpu.vector_store_idx %arg4[%convert_element_type3A_252, %iota3A], %broadcast_in_dim3A_0 {add = true} : memref<30x16xi32, #tpu.memory_space<vmem>>[vector<16xi32>, vector<16xi32>], vector<16xi32>,
          %scan3A_253 = arith.constant 2 : i32
          %scan3A_254 = arith.addi %scan3A_213, %scan3A_253 : i32
          %mul3A_255 = arith.constant 16 : i32
          %mul3A_256 = arith.muli %scan3A_254, %mul3A_255 : i32
          %add3A_257 = arith.constant 0 : i32
          %add3A_258 = arith.addi %add3A_257, %mul3A_256 : i32
          %get3A_259 = arith.constant 0 : i32
          %get3A_260 = arith.constant 0 : i32
          %get3A_261 = arith.constant 0 : i32
          %get3A_262 = tpu.memref_slice %run_scoped3A[%rem3A_166, %get3A_260, %get3A_261] : memref<2x1x16384xf32, #tpu.memory_space<vmem>> -> memref<1x1x16384xf32, #tpu.memory_space<vmem>>
          %get3A_263 = tpu.memref_squeeze %get3A_262 : memref<1x1x16384xf32, #tpu.memory_space<vmem>> -> memref<1x16384xf32, #tpu.memory_space<vmem>>
          %get3A_264 = arith.index_cast %get3A_259 : i32 to index
          %get3A_265 = arith.index_cast %add3A_258 : i32 to index
          %get3A_266 = tpu.vector_load %get3A_263[%get3A_264, %get3A_265] {strides = array<i32>} : memref<1x16384xf32, #tpu.memory_space<vmem>>, vector<16xf32>,
          %add3A_267 = arith.constant 1.00000095 : f32
          %add3A_268 = vector.broadcast %add3A_267 : f32 to vector<16xf32>
          %add3A_269 = arith.addf %get3A_266, %add3A_268 : vector<16xf32>
          %mul3A_270 = arith.constant 1.450000e+01 : f32
          %mul3A_271 = vector.broadcast %mul3A_270 : f32 to vector<16xf32>
          %mul3A_272 = arith.mulf %add3A_269, %mul3A_271 : vector<16xf32>
          %convert_element_type3A_273 = arith.fptosi %mul3A_272 : vector<16xf32> to vector<16xi32>
          tpu.vector_store_idx %arg4[%convert_element_type3A_273, %iota3A], %broadcast_in_dim3A_0 {add = true} : memref<30x16xi32, #tpu.memory_space<vmem>>[vector<16xi32>, vector<16xi32>], vector<16xi32>,
          %scan3A_274 = arith.constant 3 : i32
          %scan3A_275 = arith.addi %scan3A_213, %scan3A_274 : i32
          %mul3A_276 = arith.constant 16 : i32
          %mul3A_277 = arith.muli %scan3A_275, %mul3A_276 : i32
          %add3A_278 = arith.constant 0 : i32
          %add3A_279 = arith.addi %add3A_278, %mul3A_277 : i32
          %get3A_280 = arith.constant 0 : i32
          %get3A_281 = arith.constant 0 : i32
          %get3A_282 = arith.constant 0 : i32
          %get3A_283 = tpu.memref_slice %run_scoped3A[%rem3A_166, %get3A_281, %get3A_282] : memref<2x1x16384xf32, #tpu.memory_space<vmem>> -> memref<1x1x16384xf32, #tpu.memory_space<vmem>>
          %get3A_284 = tpu.memref_squeeze %get3A_283 : memref<1x1x16384xf32, #tpu.memory_space<vmem>> -> memref<1x16384xf32, #tpu.memory_space<vmem>>
          %get3A_285 = arith.index_cast %get3A_280 : i32 to index
          %get3A_286 = arith.index_cast %add3A_279 : i32 to index
          %get3A_287 = tpu.vector_load %get3A_284[%get3A_285, %get3A_286] {strides = array<i32>} : memref<1x16384xf32, #tpu.memory_space<vmem>>, vector<16xf32>,
          %add3A_288 = arith.constant 1.00000095 : f32
          %add3A_289 = vector.broadcast %add3A_288 : f32 to vector<16xf32>
          %add3A_290 = arith.addf %get3A_287, %add3A_289 : vector<16xf32>
          %mul3A_291 = arith.constant 1.450000e+01 : f32
          %mul3A_292 = vector.broadcast %mul3A_291 : f32 to vector<16xf32>
          %mul3A_293 = arith.mulf %add3A_290, %mul3A_292 : vector<16xf32>
          %convert_element_type3A_294 = arith.fptosi %mul3A_293 : vector<16xf32> to vector<16xi32>
          tpu.vector_store_idx %arg4[%convert_element_type3A_294, %iota3A], %broadcast_in_dim3A_0 {add = true} : memref<30x16xi32, #tpu.memory_space<vmem>>[vector<16xi32>, vector<16xi32>], vector<16xi32>,
          %scan3A_295 = arith.constant 4 : i32
          %scan3A_296 = arith.addi %scan3A_213, %scan3A_295 : i32
          %mul3A_297 = arith.constant 16 : i32
          %mul3A_298 = arith.muli %scan3A_296, %mul3A_297 : i32
          %add3A_299 = arith.constant 0 : i32
          %add3A_300 = arith.addi %add3A_299, %mul3A_298 : i32
          %get3A_301 = arith.constant 0 : i32
          %get3A_302 = arith.constant 0 : i32
          %get3A_303 = arith.constant 0 : i32
          %get3A_304 = tpu.memref_slice %run_scoped3A[%rem3A_166, %get3A_302, %get3A_303] : memref<2x1x16384xf32, #tpu.memory_space<vmem>> -> memref<1x1x16384xf32, #tpu.memory_space<vmem>>
          %get3A_305 = tpu.memref_squeeze %get3A_304 : memref<1x1x16384xf32, #tpu.memory_space<vmem>> -> memref<1x16384xf32, #tpu.memory_space<vmem>>
          %get3A_306 = arith.index_cast %get3A_301 : i32 to index
          %get3A_307 = arith.index_cast %add3A_300 : i32 to index
          %get3A_308 = tpu.vector_load %get3A_305[%get3A_306, %get3A_307] {strides = array<i32>} : memref<1x16384xf32, #tpu.memory_space<vmem>>, vector<16xf32>,
          %add3A_309 = arith.constant 1.00000095 : f32
          %add3A_310 = vector.broadcast %add3A_309 : f32 to vector<16xf32>
          %add3A_311 = arith.addf %get3A_308, %add3A_310 : vector<16xf32>
          %mul3A_312 = arith.constant 1.450000e+01 : f32
          %mul3A_313 = vector.broadcast %mul3A_312 : f32 to vector<16xf32>
          %mul3A_314 = arith.mulf %add3A_311, %mul3A_313 : vector<16xf32>
          %convert_element_type3A_315 = arith.fptosi %mul3A_314 : vector<16xf32> to vector<16xi32>
          tpu.vector_store_idx %arg4[%convert_element_type3A_315, %iota3A], %broadcast_in_dim3A_0 {add = true} : memref<30x16xi32, #tpu.memory_space<vmem>>[vector<16xi32>, vector<16xi32>], vector<16xi32>,
          %scan3A_316 = arith.constant 5 : i32
          %scan3A_317 = arith.addi %scan3A_213, %scan3A_316 : i32
          %mul3A_318 = arith.constant 16 : i32
          %mul3A_319 = arith.muli %scan3A_317, %mul3A_318 : i32
          %add3A_320 = arith.constant 0 : i32
          %add3A_321 = arith.addi %add3A_320, %mul3A_319 : i32
          %get3A_322 = arith.constant 0 : i32
          %get3A_323 = arith.constant 0 : i32
          %get3A_324 = arith.constant 0 : i32
          %get3A_325 = tpu.memref_slice %run_scoped3A[%rem3A_166, %get3A_323, %get3A_324] : memref<2x1x16384xf32, #tpu.memory_space<vmem>> -> memref<1x1x16384xf32, #tpu.memory_space<vmem>>
          %get3A_326 = tpu.memref_squeeze %get3A_325 : memref<1x1x16384xf32, #tpu.memory_space<vmem>> -> memref<1x16384xf32, #tpu.memory_space<vmem>>
          %get3A_327 = arith.index_cast %get3A_322 : i32 to index
          %get3A_328 = arith.index_cast %add3A_321 : i32 to index
          %get3A_329 = tpu.vector_load %get3A_326[%get3A_327, %get3A_328] {strides = array<i32>} : memref<1x16384xf32, #tpu.memory_space<vmem>>, vector<16xf32>,
          %add3A_330 = arith.constant 1.00000095 : f32
          %add3A_331 = vector.broadcast %add3A_330 : f32 to vector<16xf32>
          %add3A_332 = arith.addf %get3A_329, %add3A_331 : vector<16xf32>
          %mul3A_333 = arith.constant 1.450000e+01 : f32
          %mul3A_334 = vector.broadcast %mul3A_333 : f32 to vector<16xf32>
          %mul3A_335 = arith.mulf %add3A_332, %mul3A_334 : vector<16xf32>
          %convert_element_type3A_336 = arith.fptosi %mul3A_335 : vector<16xf32> to vector<16xi32>
          tpu.vector_store_idx %arg4[%convert_element_type3A_336, %iota3A], %broadcast_in_dim3A_0 {add = true} : memref<30x16xi32, #tpu.memory_space<vmem>>[vector<16xi32>, vector<16xi32>], vector<16xi32>,
          %scan3A_337 = arith.constant 6 : i32
          %scan3A_338 = arith.addi %scan3A_213, %scan3A_337 : i32
          %mul3A_339 = arith.constant 16 : i32
          %mul3A_340 = arith.muli %scan3A_338, %mul3A_339 : i32
          %add3A_341 = arith.constant 0 : i32
          %add3A_342 = arith.addi %add3A_341, %mul3A_340 : i32
          %get3A_343 = arith.constant 0 : i32
          %get3A_344 = arith.constant 0 : i32
          %get3A_345 = arith.constant 0 : i32
          %get3A_346 = tpu.memref_slice %run_scoped3A[%rem3A_166, %get3A_344, %get3A_345] : memref<2x1x16384xf32, #tpu.memory_space<vmem>> -> memref<1x1x16384xf32, #tpu.memory_space<vmem>>
          %get3A_347 = tpu.memref_squeeze %get3A_346 : memref<1x1x16384xf32, #tpu.memory_space<vmem>> -> memref<1x16384xf32, #tpu.memory_space<vmem>>
          %get3A_348 = arith.index_cast %get3A_343 : i32 to index
          %get3A_349 = arith.index_cast %add3A_342 : i32 to index
          %get3A_350 = tpu.vector_load %get3A_347[%get3A_348, %get3A_349] {strides = array<i32>} : memref<1x16384xf32, #tpu.memory_space<vmem>>, vector<16xf32>,
          %add3A_351 = arith.constant 1.00000095 : f32
          %add3A_352 = vector.broadcast %add3A_351 : f32 to vector<16xf32>
          %add3A_353 = arith.addf %get3A_350, %add3A_352 : vector<16xf32>
          %mul3A_354 = arith.constant 1.450000e+01 : f32
          %mul3A_355 = vector.broadcast %mul3A_354 : f32 to vector<16xf32>
          %mul3A_356 = arith.mulf %add3A_353, %mul3A_355 : vector<16xf32>
          %convert_element_type3A_357 = arith.fptosi %mul3A_356 : vector<16xf32> to vector<16xi32>
          tpu.vector_store_idx %arg4[%convert_element_type3A_357, %iota3A], %broadcast_in_dim3A_0 {add = true} : memref<30x16xi32, #tpu.memory_space<vmem>>[vector<16xi32>, vector<16xi32>], vector<16xi32>,
          %scan3A_358 = arith.constant 7 : i32
          %scan3A_359 = arith.addi %scan3A_213, %scan3A_358 : i32
          %mul3A_360 = arith.constant 16 : i32
          %mul3A_361 = arith.muli %scan3A_359, %mul3A_360 : i32
          %add3A_362 = arith.constant 0 : i32
          %add3A_363 = arith.addi %add3A_362, %mul3A_361 : i32
          %get3A_364 = arith.constant 0 : i32
          %get3A_365 = arith.constant 0 : i32
          %get3A_366 = arith.constant 0 : i32
          %get3A_367 = tpu.memref_slice %run_scoped3A[%rem3A_166, %get3A_365, %get3A_366] : memref<2x1x16384xf32, #tpu.memory_space<vmem>> -> memref<1x1x16384xf32, #tpu.memory_space<vmem>>
          %get3A_368 = tpu.memref_squeeze %get3A_367 : memref<1x1x16384xf32, #tpu.memory_space<vmem>> -> memref<1x16384xf32, #tpu.memory_space<vmem>>
          %get3A_369 = arith.index_cast %get3A_364 : i32 to index
          %get3A_370 = arith.index_cast %add3A_363 : i32 to index
          %get3A_371 = tpu.vector_load %get3A_368[%get3A_369, %get3A_370] {strides = array<i32>} : memref<1x16384xf32, #tpu.memory_space<vmem>>, vector<16xf32>,
          %add3A_372 = arith.constant 1.00000095 : f32
          %add3A_373 = vector.broadcast %add3A_372 : f32 to vector<16xf32>
          %add3A_374 = arith.addf %get3A_371, %add3A_373 : vector<16xf32>
          %mul3A_375 = arith.constant 1.450000e+01 : f32
          %mul3A_376 = vector.broadcast %mul3A_375 : f32 to vector<16xf32>
          %mul3A_377 = arith.mulf %add3A_374, %mul3A_376 : vector<16xf32>
          %convert_element_type3A_378 = arith.fptosi %mul3A_377 : vector<16xf32> to vector<16xi32>
          tpu.vector_store_idx %arg4[%convert_element_type3A_378, %iota3A], %broadcast_in_dim3A_0 {add = true} : memref<30x16xi32, #tpu.memory_space<vmem>>[vector<16xi32>, vector<16xi32>], vector<16xi32>,
          %scan3A_379 = arith.constant 8 : i32
          %scan3A_380 = arith.addi %scan3A_213, %scan3A_379 : i32
          %mul3A_381 = arith.constant 16 : i32
          %mul3A_382 = arith.muli %scan3A_380, %mul3A_381 : i32
          %add3A_383 = arith.constant 0 : i32
          %add3A_384 = arith.addi %add3A_383, %mul3A_382 : i32
          %get3A_385 = arith.constant 0 : i32
          %get3A_386 = arith.constant 0 : i32
          %get3A_387 = arith.constant 0 : i32
          %get3A_388 = tpu.memref_slice %run_scoped3A[%rem3A_166, %get3A_386, %get3A_387] : memref<2x1x16384xf32, #tpu.memory_space<vmem>> -> memref<1x1x16384xf32, #tpu.memory_space<vmem>>
          %get3A_389 = tpu.memref_squeeze %get3A_388 : memref<1x1x16384xf32, #tpu.memory_space<vmem>> -> memref<1x16384xf32, #tpu.memory_space<vmem>>
          %get3A_390 = arith.index_cast %get3A_385 : i32 to index
          %get3A_391 = arith.index_cast %add3A_384 : i32 to index
          %get3A_392 = tpu.vector_load %get3A_389[%get3A_390, %get3A_391] {strides = array<i32>} : memref<1x16384xf32, #tpu.memory_space<vmem>>, vector<16xf32>,
          %add3A_393 = arith.constant 1.00000095 : f32
          %add3A_394 = vector.broadcast %add3A_393 : f32 to vector<16xf32>
          %add3A_395 = arith.addf %get3A_392, %add3A_394 : vector<16xf32>
          %mul3A_396 = arith.constant 1.450000e+01 : f32
          %mul3A_397 = vector.broadcast %mul3A_396 : f32 to vector<16xf32>
          %mul3A_398 = arith.mulf %add3A_395, %mul3A_397 : vector<16xf32>
          %convert_element_type3A_399 = arith.fptosi %mul3A_398 : vector<16xf32> to vector<16xi32>
          tpu.vector_store_idx %arg4[%convert_element_type3A_399, %iota3A], %broadcast_in_dim3A_0 {add = true} : memref<30x16xi32, #tpu.memory_space<vmem>>[vector<16xi32>, vector<16xi32>], vector<16xi32>,
          %scan3A_400 = arith.constant 9 : i32
          %scan3A_401 = arith.addi %scan3A_213, %scan3A_400 : i32
          %mul3A_402 = arith.constant 16 : i32
          %mul3A_403 = arith.muli %scan3A_401, %mul3A_402 : i32
          %add3A_404 = arith.constant 0 : i32
          %add3A_405 = arith.addi %add3A_404, %mul3A_403 : i32
          %get3A_406 = arith.constant 0 : i32
          %get3A_407 = arith.constant 0 : i32
          %get3A_408 = arith.constant 0 : i32
          %get3A_409 = tpu.memref_slice %run_scoped3A[%rem3A_166, %get3A_407, %get3A_408] : memref<2x1x16384xf32, #tpu.memory_space<vmem>> -> memref<1x1x16384xf32, #tpu.memory_space<vmem>>
          %get3A_410 = tpu.memref_squeeze %get3A_409 : memref<1x1x16384xf32, #tpu.memory_space<vmem>> -> memref<1x16384xf32, #tpu.memory_space<vmem>>
          %get3A_411 = arith.index_cast %get3A_406 : i32 to index
          %get3A_412 = arith.index_cast %add3A_405 : i32 to index
          %get3A_413 = tpu.vector_load %get3A_410[%get3A_411, %get3A_412] {strides = array<i32>} : memref<1x16384xf32, #tpu.memory_space<vmem>>, vector<16xf32>,
          %add3A_414 = arith.constant 1.00000095 : f32
          %add3A_415 = vector.broadcast %add3A_414 : f32 to vector<16xf32>
          %add3A_416 = arith.addf %get3A_413, %add3A_415 : vector<16xf32>
          %mul3A_417 = arith.constant 1.450000e+01 : f32
          %mul3A_418 = vector.broadcast %mul3A_417 : f32 to vector<16xf32>
          %mul3A_419 = arith.mulf %add3A_416, %mul3A_418 : vector<16xf32>
          %convert_element_type3A_420 = arith.fptosi %mul3A_419 : vector<16xf32> to vector<16xi32>
          tpu.vector_store_idx %arg4[%convert_element_type3A_420, %iota3A], %broadcast_in_dim3A_0 {add = true} : memref<30x16xi32, #tpu.memory_space<vmem>>[vector<16xi32>, vector<16xi32>], vector<16xi32>,
          %scan3A_421 = arith.constant 10 : i32
          %scan3A_422 = arith.addi %scan3A_213, %scan3A_421 : i32
          %mul3A_423 = arith.constant 16 : i32
          %mul3A_424 = arith.muli %scan3A_422, %mul3A_423 : i32
          %add3A_425 = arith.constant 0 : i32
          %add3A_426 = arith.addi %add3A_425, %mul3A_424 : i32
          %get3A_427 = arith.constant 0 : i32
          %get3A_428 = arith.constant 0 : i32
          %get3A_429 = arith.constant 0 : i32
          %get3A_430 = tpu.memref_slice %run_scoped3A[%rem3A_166, %get3A_428, %get3A_429] : memref<2x1x16384xf32, #tpu.memory_space<vmem>> -> memref<1x1x16384xf32, #tpu.memory_space<vmem>>
          %get3A_431 = tpu.memref_squeeze %get3A_430 : memref<1x1x16384xf32, #tpu.memory_space<vmem>> -> memref<1x16384xf32, #tpu.memory_space<vmem>>
          %get3A_432 = arith.index_cast %get3A_427 : i32 to index
          %get3A_433 = arith.index_cast %add3A_426 : i32 to index
          %get3A_434 = tpu.vector_load %get3A_431[%get3A_432, %get3A_433] {strides = array<i32>} : memref<1x16384xf32, #tpu.memory_space<vmem>>, vector<16xf32>,
          %add3A_435 = arith.constant 1.00000095 : f32
          %add3A_436 = vector.broadcast %add3A_435 : f32 to vector<16xf32>
          %add3A_437 = arith.addf %get3A_434, %add3A_436 : vector<16xf32>
          %mul3A_438 = arith.constant 1.450000e+01 : f32
          %mul3A_439 = vector.broadcast %mul3A_438 : f32 to vector<16xf32>
          %mul3A_440 = arith.mulf %add3A_437, %mul3A_439 : vector<16xf32>
          %convert_element_type3A_441 = arith.fptosi %mul3A_440 : vector<16xf32> to vector<16xi32>
          tpu.vector_store_idx %arg4[%convert_element_type3A_441, %iota3A], %broadcast_in_dim3A_0 {add = true} : memref<30x16xi32, #tpu.memory_space<vmem>>[vector<16xi32>, vector<16xi32>], vector<16xi32>,
          %scan3A_442 = arith.constant 11 : i32
          %scan3A_443 = arith.addi %scan3A_213, %scan3A_442 : i32
          %mul3A_444 = arith.constant 16 : i32
          %mul3A_445 = arith.muli %scan3A_443, %mul3A_444 : i32
          %add3A_446 = arith.constant 0 : i32
          %add3A_447 = arith.addi %add3A_446, %mul3A_445 : i32
          %get3A_448 = arith.constant 0 : i32
          %get3A_449 = arith.constant 0 : i32
          %get3A_450 = arith.constant 0 : i32
          %get3A_451 = tpu.memref_slice %run_scoped3A[%rem3A_166, %get3A_449, %get3A_450] : memref<2x1x16384xf32, #tpu.memory_space<vmem>> -> memref<1x1x16384xf32, #tpu.memory_space<vmem>>
          %get3A_452 = tpu.memref_squeeze %get3A_451 : memref<1x1x16384xf32, #tpu.memory_space<vmem>> -> memref<1x16384xf32, #tpu.memory_space<vmem>>
          %get3A_453 = arith.index_cast %get3A_448 : i32 to index
          %get3A_454 = arith.index_cast %add3A_447 : i32 to index
          %get3A_455 = tpu.vector_load %get3A_452[%get3A_453, %get3A_454] {strides = array<i32>} : memref<1x16384xf32, #tpu.memory_space<vmem>>, vector<16xf32>,
          %add3A_456 = arith.constant 1.00000095 : f32
          %add3A_457 = vector.broadcast %add3A_456 : f32 to vector<16xf32>
          %add3A_458 = arith.addf %get3A_455, %add3A_457 : vector<16xf32>
          %mul3A_459 = arith.constant 1.450000e+01 : f32
          %mul3A_460 = vector.broadcast %mul3A_459 : f32 to vector<16xf32>
          %mul3A_461 = arith.mulf %add3A_458, %mul3A_460 : vector<16xf32>
          %convert_element_type3A_462 = arith.fptosi %mul3A_461 : vector<16xf32> to vector<16xi32>
          tpu.vector_store_idx %arg4[%convert_element_type3A_462, %iota3A], %broadcast_in_dim3A_0 {add = true} : memref<30x16xi32, #tpu.memory_space<vmem>>[vector<16xi32>, vector<16xi32>], vector<16xi32>,
          %scan3A_463 = arith.constant 12 : i32
          %scan3A_464 = arith.addi %scan3A_213, %scan3A_463 : i32
          %mul3A_465 = arith.constant 16 : i32
          %mul3A_466 = arith.muli %scan3A_464, %mul3A_465 : i32
          %add3A_467 = arith.constant 0 : i32
          %add3A_468 = arith.addi %add3A_467, %mul3A_466 : i32
          %get3A_469 = arith.constant 0 : i32
          %get3A_470 = arith.constant 0 : i32
          %get3A_471 = arith.constant 0 : i32
          %get3A_472 = tpu.memref_slice %run_scoped3A[%rem3A_166, %get3A_470, %get3A_471] : memref<2x1x16384xf32, #tpu.memory_space<vmem>> -> memref<1x1x16384xf32, #tpu.memory_space<vmem>>
          %get3A_473 = tpu.memref_squeeze %get3A_472 : memref<1x1x16384xf32, #tpu.memory_space<vmem>> -> memref<1x16384xf32, #tpu.memory_space<vmem>>
          %get3A_474 = arith.index_cast %get3A_469 : i32 to index
          %get3A_475 = arith.index_cast %add3A_468 : i32 to index
          %get3A_476 = tpu.vector_load %get3A_473[%get3A_474, %get3A_475] {strides = array<i32>} : memref<1x16384xf32, #tpu.memory_space<vmem>>, vector<16xf32>,
          %add3A_477 = arith.constant 1.00000095 : f32
          %add3A_478 = vector.broadcast %add3A_477 : f32 to vector<16xf32>
          %add3A_479 = arith.addf %get3A_476, %add3A_478 : vector<16xf32>
          %mul3A_480 = arith.constant 1.450000e+01 : f32
          %mul3A_481 = vector.broadcast %mul3A_480 : f32 to vector<16xf32>
          %mul3A_482 = arith.mulf %add3A_479, %mul3A_481 : vector<16xf32>
          %convert_element_type3A_483 = arith.fptosi %mul3A_482 : vector<16xf32> to vector<16xi32>
          tpu.vector_store_idx %arg4[%convert_element_type3A_483, %iota3A], %broadcast_in_dim3A_0 {add = true} : memref<30x16xi32, #tpu.memory_space<vmem>>[vector<16xi32>, vector<16xi32>], vector<16xi32>,
          %scan3A_484 = arith.constant 13 : i32
          %scan3A_485 = arith.addi %scan3A_213, %scan3A_484 : i32
          %mul3A_486 = arith.constant 16 : i32
          %mul3A_487 = arith.muli %scan3A_485, %mul3A_486 : i32
          %add3A_488 = arith.constant 0 : i32
          %add3A_489 = arith.addi %add3A_488, %mul3A_487 : i32
          %get3A_490 = arith.constant 0 : i32
          %get3A_491 = arith.constant 0 : i32
          %get3A_492 = arith.constant 0 : i32
          %get3A_493 = tpu.memref_slice %run_scoped3A[%rem3A_166, %get3A_491, %get3A_492] : memref<2x1x16384xf32, #tpu.memory_space<vmem>> -> memref<1x1x16384xf32, #tpu.memory_space<vmem>>
          %get3A_494 = tpu.memref_squeeze %get3A_493 : memref<1x1x16384xf32, #tpu.memory_space<vmem>> -> memref<1x16384xf32, #tpu.memory_space<vmem>>
          %get3A_495 = arith.index_cast %get3A_490 : i32 to index
          %get3A_496 = arith.index_cast %add3A_489 : i32 to index
          %get3A_497 = tpu.vector_load %get3A_494[%get3A_495, %get3A_496] {strides = array<i32>} : memref<1x16384xf32, #tpu.memory_space<vmem>>, vector<16xf32>,
          %add3A_498 = arith.constant 1.00000095 : f32
          %add3A_499 = vector.broadcast %add3A_498 : f32 to vector<16xf32>
          %add3A_500 = arith.addf %get3A_497, %add3A_499 : vector<16xf32>
          %mul3A_501 = arith.constant 1.450000e+01 : f32
          %mul3A_502 = vector.broadcast %mul3A_501 : f32 to vector<16xf32>
          %mul3A_503 = arith.mulf %add3A_500, %mul3A_502 : vector<16xf32>
          %convert_element_type3A_504 = arith.fptosi %mul3A_503 : vector<16xf32> to vector<16xi32>
          tpu.vector_store_idx %arg4[%convert_element_type3A_504, %iota3A], %broadcast_in_dim3A_0 {add = true} : memref<30x16xi32, #tpu.memory_space<vmem>>[vector<16xi32>, vector<16xi32>], vector<16xi32>,
          %scan3A_505 = arith.constant 14 : i32
          %scan3A_506 = arith.addi %scan3A_213, %scan3A_505 : i32
          %mul3A_507 = arith.constant 16 : i32
          %mul3A_508 = arith.muli %scan3A_506, %mul3A_507 : i32
          %add3A_509 = arith.constant 0 : i32
          %add3A_510 = arith.addi %add3A_509, %mul3A_508 : i32
          %get3A_511 = arith.constant 0 : i32
          %get3A_512 = arith.constant 0 : i32
          %get3A_513 = arith.constant 0 : i32
          %get3A_514 = tpu.memref_slice %run_scoped3A[%rem3A_166, %get3A_512, %get3A_513] : memref<2x1x16384xf32, #tpu.memory_space<vmem>> -> memref<1x1x16384xf32, #tpu.memory_space<vmem>>
          %get3A_515 = tpu.memref_squeeze %get3A_514 : memref<1x1x16384xf32, #tpu.memory_space<vmem>> -> memref<1x16384xf32, #tpu.memory_space<vmem>>
          %get3A_516 = arith.index_cast %get3A_511 : i32 to index
          %get3A_517 = arith.index_cast %add3A_510 : i32 to index
          %get3A_518 = tpu.vector_load %get3A_515[%get3A_516, %get3A_517] {strides = array<i32>} : memref<1x16384xf32, #tpu.memory_space<vmem>>, vector<16xf32>,
          %add3A_519 = arith.constant 1.00000095 : f32
          %add3A_520 = vector.broadcast %add3A_519 : f32 to vector<16xf32>
          %add3A_521 = arith.addf %get3A_518, %add3A_520 : vector<16xf32>
          %mul3A_522 = arith.constant 1.450000e+01 : f32
          %mul3A_523 = vector.broadcast %mul3A_522 : f32 to vector<16xf32>
          %mul3A_524 = arith.mulf %add3A_521, %mul3A_523 : vector<16xf32>
          %convert_element_type3A_525 = arith.fptosi %mul3A_524 : vector<16xf32> to vector<16xi32>
          tpu.vector_store_idx %arg4[%convert_element_type3A_525, %iota3A], %broadcast_in_dim3A_0 {add = true} : memref<30x16xi32, #tpu.memory_space<vmem>>[vector<16xi32>, vector<16xi32>], vector<16xi32>,
          %scan3A_526 = arith.constant 15 : i32
          %scan3A_527 = arith.addi %scan3A_213, %scan3A_526 : i32
          %mul3A_528 = arith.constant 16 : i32
          %mul3A_529 = arith.muli %scan3A_527, %mul3A_528 : i32
          %add3A_530 = arith.constant 0 : i32
          %add3A_531 = arith.addi %add3A_530, %mul3A_529 : i32
          %get3A_532 = arith.constant 0 : i32
          %get3A_533 = arith.constant 0 : i32
          %get3A_534 = arith.constant 0 : i32
          %get3A_535 = tpu.memref_slice %run_scoped3A[%rem3A_166, %get3A_533, %get3A_534] : memref<2x1x16384xf32, #tpu.memory_space<vmem>> -> memref<1x1x16384xf32, #tpu.memory_space<vmem>>
          %get3A_536 = tpu.memref_squeeze %get3A_535 : memref<1x1x16384xf32, #tpu.memory_space<vmem>> -> memref<1x16384xf32, #tpu.memory_space<vmem>>
          %get3A_537 = arith.index_cast %get3A_532 : i32 to index
          %get3A_538 = arith.index_cast %add3A_531 : i32 to index
          %get3A_539 = tpu.vector_load %get3A_536[%get3A_537, %get3A_538] {strides = array<i32>} : memref<1x16384xf32, #tpu.memory_space<vmem>>, vector<16xf32>,
          %add3A_540 = arith.constant 1.00000095 : f32
          %add3A_541 = vector.broadcast %add3A_540 : f32 to vector<16xf32>
          %add3A_542 = arith.addf %get3A_539, %add3A_541 : vector<16xf32>
          %mul3A_543 = arith.constant 1.450000e+01 : f32
          %mul3A_544 = vector.broadcast %mul3A_543 : f32 to vector<16xf32>
          %mul3A_545 = arith.mulf %add3A_542, %mul3A_544 : vector<16xf32>
          %convert_element_type3A_546 = arith.fptosi %mul3A_545 : vector<16xf32> to vector<16xi32>
          tpu.vector_store_idx %arg4[%convert_element_type3A_546, %iota3A], %broadcast_in_dim3A_0 {add = true} : memref<30x16xi32, #tpu.memory_space<vmem>>[vector<16xi32>, vector<16xi32>], vector<16xi32>,
        }
        %scan3A_171 = arith.constant 1024 : i32
        "tpu.trace_stop"() : () -> ()
        %ne3A_172 = arith.cmpi ne, %add3A_117, %add3A_135 : i32
        %or3A_173 = arith.constant false
        %or3A_174 = arith.ori %or3A_173, %ne3A_172 : i1
        %or3A_175 = arith.constant false
        %or3A_176 = arith.ori %or3A_174, %or3A_175 : i1
        %or3A_177 = arith.ori %or3A_176, %eq3A_116 : i1
        %convert_element_type3A_178 = arith.extui %or3A_177 : i1 to i32
        %cond3A_179 = arith.constant 0 : i32
        %cond3A_180 = arith.cmpi ne, %convert_element_type3A_178, %cond3A_179 : i32
        scf.if %cond3A_180 {
        } else {
        }
        %and3A_181 = arith.constant false
        %and3A_182 = arith.andi %or3A_177, %and3A_181 : i1
        %ne3A_183 = arith.cmpi ne, %add3A_117, %add3A_126 : i32
        %or3A_184 = arith.constant false
        %or3A_185 = arith.ori %or3A_184, %ne3A_183 : i1
        %or3A_186 = arith.constant false
        %or3A_187 = arith.ori %or3A_185, %or3A_186 : i1
        %not3A_188 = arith.constant true
        %not3A_189 = arith.xori %eq3A_114, %not3A_188 : i1
        %and3A_190 = arith.andi %or3A_187, %not3A_189 : i1
        %convert_element_type3A_191 = arith.extui %and3A_190 : i1 to i32
        %cond3A_192 = arith.constant 0 : i32
        %cond3A_193 = arith.cmpi ne, %convert_element_type3A_191, %cond3A_192 : i32
        scf.if %cond3A_193 {
        } else {
        }
        %and3A_194 = arith.constant false
        %and3A_195 = arith.andi %and3A_190, %and3A_194 : i1
        %ne3A_196 = arith.cmpi ne, %add3A_117, %add3A_135 : i32
        %or3A_197 = arith.constant false
        %or3A_198 = arith.ori %or3A_197, %ne3A_196 : i1
        %or3A_199 = arith.constant false
        %or3A_200 = arith.ori %or3A_198, %or3A_199 : i1
        %or3A_201 = arith.ori %or3A_200, %eq3A_116 : i1
        %add3A_202 = arith.constant 1 : i32
        %add3A_203 = arith.addi %scan3A_111, %add3A_202 : i32
        %select_n3A_204 = arith.select %or3A_201, %add3A_203, %scan3A_111 : i32
        %add3A_205 = arith.constant 1 : i32
        %add3A_206 = arith.addi %scan3A_112, %add3A_205 : i32
        %select_n3A_207 = arith.constant true
        %select_n3A_208 = arith.select %select_n3A_207, %add3A_206, %scan3A_112 : i32
        %eq3A_209 = arith.constant 128 : i32
        %eq3A_210 = arith.cmpi eq, %select_n3A_208, %eq3A_209 : i32
        %select_n3A_211 = arith.constant 0 : i32
        %select_n3A_212 = arith.select %eq3A_210, %select_n3A_211, %select_n3A_208 : i32
        scf.yield %select_n3A_155, %select_n3A_204, %select_n3A_212 : i32, i32, i32
      }
      %scan3A_73 = arith.constant 128 : i32
      %sub3A = arith.constant 1 : i32
      %sub3A_74 = arith.subi %scan3A_72#2, %sub3A : i32
      %select_n3A_75 = arith.constant true
      %select_n3A_76 = arith.select %select_n3A_75, %sub3A_74, %scan3A_72#2 : i32
      %eq3A_77 = arith.constant -1 : i32
      %eq3A_78 = arith.cmpi eq, %select_n3A_76, %eq3A_77 : i32
      %select_n3A_79 = arith.constant 127 : i32
      %select_n3A_80 = arith.select %eq3A_78, %select_n3A_79, %select_n3A_76 : i32
      %add3A_81 = arith.addi %select_n3A_80, %mul3A_11 : i32
      %sub3A_82 = arith.constant 1 : i32
      %sub3A_83 = arith.subi %select_n3A_80, %sub3A_82 : i32
      %select_n3A_84 = arith.constant true
      %select_n3A_85 = arith.select %select_n3A_84, %sub3A_83, %select_n3A_80 : i32
      %eq3A_86 = arith.constant -1 : i32
      %eq3A_87 = arith.cmpi eq, %select_n3A_85, %eq3A_86 : i32
      %select_n3A_88 = arith.constant 127 : i32
      %select_n3A_89 = arith.select %eq3A_87, %select_n3A_88, %select_n3A_85 : i32
      %add3A_90 = arith.addi %select_n3A_89, %mul3A_11 : i32
      %add3A_91 = arith.constant 1 : i32
      %add3A_92 = arith.addi %select_n3A_80, %add3A_91 : i32
      %select_n3A_93 = arith.constant true
      %select_n3A_94 = arith.select %select_n3A_93, %add3A_92, %select_n3A_80 : i32
      %eq3A_95 = arith.constant 128 : i32
      %eq3A_96 = arith.cmpi eq, %select_n3A_94, %eq3A_95 : i32
      %select_n3A_97 = arith.constant 0 : i32
      %select_n3A_98 = arith.select %eq3A_96, %select_n3A_97, %select_n3A_94 : i32
      %add3A_99 = arith.addi %select_n3A_98, %mul3A_11 : i32
      %add3A_100 = arith.constant 1 : i32
      %add3A_101 = arith.addi %select_n3A_98, %add3A_100 : i32
      %select_n3A_102 = arith.constant true
      %select_n3A_103 = arith.select %select_n3A_102, %add3A_101, %select_n3A_98 : i32
      %eq3A_104 = arith.constant 128 : i32
      %eq3A_105 = arith.cmpi eq, %select_n3A_103, %eq3A_104 : i32
      %select_n3A_106 = arith.constant 0 : i32
      %select_n3A_107 = arith.select %eq3A_105, %select_n3A_106, %select_n3A_103 : i32
      %add3A_108 = arith.addi %select_n3A_107, %mul3A_11 : i32
      tpu.yield
    }) : () -> ()
    %mul3A_12 = arith.constant 16 : i32
    %mul3A_13 = arith.muli %arg0, %mul3A_12 : i32
    %add3A_14 = arith.addi %mul3A_13, %arg1 : i32
    "tpu.region"() ({
      %run_scoped3A = tpu.sem_alloc : memref<!tpu.dma_semaphore, #tpu.memory_space<semaphore_mem>>
      %dma_start3A = arith.constant 0 : i32
      %dma_start3A_15 = arith.constant 0 : i32
      %dma_start3A_16 = tpu.memref_slice %arg3[%add3A_14, %dma_start3A, %dma_start3A_15] : memref<32x30x16xi32, #tpu.memory_space<hbm>> -> memref<1x30x16xi32, #tpu.memory_space<hbm>>
      %dma_start3A_17 = tpu.memref_squeeze %dma_start3A_16 : memref<1x30x16xi32, #tpu.memory_space<hbm>> -> memref<30x16xi32, #tpu.memory_space<hbm>>
      %dma_start3A_18 = arith.constant 0 : i32
      %dma_start3A_19 = arith.constant 0 : i32
      %dma_start3A_20 = tpu.memref_slice %arg3[%add3A_14, %dma_start3A_18, %dma_start3A_19] : memref<32x30x16xi32, #tpu.memory_space<hbm>> -> memref<1x30x16xi32, #tpu.memory_space<hbm>>
      %dma_start3A_21 = tpu.memref_squeeze %dma_start3A_20 : memref<1x30x16xi32, #tpu.memory_space<hbm>> -> memref<30x16xi32, #tpu.memory_space<hbm>>
      tpu.enqueue_dma source(%arg4 : memref<30x16xi32, #tpu.memory_space<vmem>>) target(%dma_start3A_21 : memref<30x16xi32, #tpu.memory_space<hbm>>) target_semaphore(%run_scoped3A : memref<!tpu.dma_semaphore, #tpu.memory_space<semaphore_mem>>)
      %dma_wait3A = arith.constant 0 : i32
      %dma_wait3A_22 = arith.constant 0 : i32
      %dma_wait3A_23 = tpu.memref_slice %arg3[%add3A_14, %dma_wait3A, %dma_wait3A_22] : memref<32x30x16xi32, #tpu.memory_space<hbm>> -> memref<1x30x16xi32, #tpu.memory_space<hbm>>
      %dma_wait3A_24 = tpu.memref_squeeze %dma_wait3A_23 : memref<1x30x16xi32, #tpu.memory_space<hbm>> -> memref<30x16xi32, #tpu.memory_space<hbm>>
      %dma_wait3A_25 = arith.constant 0 : i32
      %dma_wait3A_26 = arith.constant 0 : i32
      %dma_wait3A_27 = tpu.memref_slice %arg3[%add3A_14, %dma_wait3A_25, %dma_wait3A_26] : memref<32x30x16xi32, #tpu.memory_space<hbm>> -> memref<1x30x16xi32, #tpu.memory_space<hbm>>
      %dma_wait3A_28 = tpu.memref_squeeze %dma_wait3A_27 : memref<1x30x16xi32, #tpu.memory_space<hbm>> -> memref<30x16xi32, #tpu.memory_space<hbm>>
      tpu.wait_dma2 semaphore(%run_scoped3A : memref<!tpu.dma_semaphore, #tpu.memory_space<semaphore_mem>>) src(%arg4 : memref<30x16xi32, #tpu.memory_space<vmem>>) dst(%dma_wait3A_28 : memref<30x16xi32, #tpu.memory_space<hbm>>)
      tpu.yield
    }) : () -> ()
    return
  }
}

module attributes {stable_mosaic.version = 14 : i64} {
  func.func @body(%arg0: memref<32x30x16xi32, #tpu.memory_space<vmem>>, %arg1: memref<30xf32, #tpu.memory_space<vmem>>) attributes {dimension_semantics = [], scalar_prefetch = 0 : i64, scratch_operands = 0 : i64, tpu.core_type = #tpu.core_type<tc>} {
    %get3A = arith.constant 0 : index
    %get3A_0 = arith.constant 0 : index
    %get3A_1 = arith.constant 0 : index
    %get3A_2 = vector.load %arg0[%get3A, %get3A_0, %get3A_1] : memref<32x30x16xi32, #tpu.memory_space<vmem>>, vector<32x30x16xi32>
    %reduce_sum3A = arith.constant dense<0> : vector<30xi32>
    %reduce_sum3A_3 = vector.multi_reduction <add>, %get3A_2, %reduce_sum3A [0, 2] : vector<32x30x16xi32> to vector<30xi32>
    %convert_element_type3A = arith.sitofp %reduce_sum3A_3 : vector<30xi32> to vector<30xf32>
    %add3A = arith.constant 9.99999974E-6 : f32
    %add3A_4 = vector.broadcast %add3A : f32 to vector<30xf32>
    %add3A_5 = arith.addf %convert_element_type3A, %add3A_4 : vector<30xf32>
    %log3A = math.log %add3A_5 : vector<30xf32>
    %swap3A = arith.constant 0 : index
    %swap3A_6 = vector.load %arg1[%swap3A] : memref<30xf32, #tpu.memory_space<vmem>>, vector<30xf32>
    tpu.vector_store %arg1[%swap3A], %log3A {strides = array<i32>} : memref<30xf32, #tpu.memory_space<vmem>>, vector<30xf32>,
    return
  }
}

</mosaic_0001>

<sc_bundles>
// kernel: kernel.4.cloned.1.call-start
scs
__scs_entry_jumppad:
0x0: {  	(pc) =	sbr.rel $0x88, $3  }
0x1: {  	(tag) =	ssettag $0x0;
	lr =	simm.s32 $0x1  }
0x2: {  	[smem:$0x3FA0] =	sst lr;
	_ =	strace $0xD0000000  }
0x3: {  	_ = 	snop  }
0x4: {  	_ = 	snop  }
0x5: {  	_ = 	snop  }
0x6: {  	_ = 	snop  }
0x7: {  	_ = 	snop  }
__scs_overlays_trampoline_lowered:
0x8: {  	[smem:$0x3FAF] =	sst s0  }
0x9: {  	[smem:$0x3FB0] =	sst s1  }
0xa: {  	[smem:$0x3FB1] =	sst s2  }
0xb: {  	[smem:$0x3FB2] =	sst s3  }
0xc: {  	[smem:$0x3FB3] =	sst s4  }
0xd: {  	[smem:$0x3FB4] =	sst s5  }
0xe: {  	[smem:$0x3FB5] =	sst s6  }
0xf: {  	[smem:$0x3FB6] =	sst s7  }
0x10: {  	[smem:$0x3FB7] =	sst s8  }
0x11: {  	[smem:$0x3FB8] =	sst s9;
	s0 =	simm.s32 @!p0 $0x0  }
0x12: {  	s1 =	sld [smem:$0x3F9E];
	s0 =	simm.s32 @p0 $0x1  }
0x13: {  	[smem:$0x3FB9] =	sst s0;
	s0 =	simm.s32 @!p1 $0x0  }
0x14: {  	s2 =	sld [smem:$0x3F9D];
	s0 =	simm.s32 @p1 $0x1  }
0x15: {  	[smem:$0x3FBA] =	sst s0;
	s0 =	simm.s32 @!p2 $0x0  }
0x16: {  	s3 =	sld [smem:$0x3FDB];
	s0 =	simm.s32 @p2 $0x1  }
0x17: {  	s4 =	simm.s32 $0x1BF5;
	[smem:$0x3FBC] =	sst s0  }
0x18: {  	s0 =	sld [smem:$0x3F9F];
	_ =	swait.ge [sflag:s4], $0x0  }
0x19: {  	s7 =	sld [smem:$0x3FA0]  }
0x1a: {  	s8 =	sadd.s32 $0xFFFFE003, lr  }
0x1b: {  	s9 =	sadd.s32 $0xFFFFFEF7, lr;
	s5 =	simm.s32 $0xFFFFFFFF;
	p2 =	slt.u32 s8, $0xFFFFF086  }
0x1c: {  	p1 =	slt.u32 s9, $0xF7A;
	s5 =	simm.s32 @!p2 $0x0  }
0x1d: {  	s5 =	simm.s32 @p1 $0x1;
	p0 =	seq.s32 s7, s2  }
0x1e: {  	s7 =	smul.u32 @!p0 $0xF7A, s2;
	p2 =	seq.s32 @!p0 s5, $0x0  }
0x1f: {  	s9 =	smul.u32 $0xF7A, s1;
	s8 =	simm.s32 @!p0 $0x1BF5;
	p2 =	por !p2, p0  }
0x20: {  	[sflag:s8] =	ssyncset.s32 @!p0 $0xFFFFF086;
	s6 =	sadd.s32 @!p0 s3, s7;
	s7 =	simm.s32 @!p0 $0x108  }
0x21: {  	s3 =	sadd.s32 s3, s9;
	s6 =	sadd.s32 @!p0 $0x88, s6;
	s7 =	simm.s32 @p2 $0x1082  }
0x22: {  	[simem:s7], [sflag:s8] =	dma.local @!p0 [hbm:s6], $0xF7A  }
0x23: {  	s9 =	sor.u32 $0xD0000000, s2;
	s6 =	simm.s32 $0x108;
	_ =	swait.ge @!p0 [sflag:s8], $0x0  }
0x24: {  	s3 =	sadd.s32 $0x88, s3;
	s6 =	simm.s32 @!p1 $0x1082;
	[sflag:s4] =	ssyncset.s32 $0xFFFFF086  }
0x25: {  	[simem:s6], [sflag:s4] =	dma.local [hbm:s3], $0xF7A  }
0x26: {  	[smem:$0x3FA0] =	sst s1;
	(tag) =	ssettag s2;
	_ =	strace s9  }
0x27: {  	s1 =	sld [smem:$0x3FB0]  }
0x28: {  	s2 =	sld [smem:$0x3FB1]  }
0x29: {  	s4 =	sld [smem:$0x3FB3]  }
0x2a: {  	p0 =	seq.s32 s5, $0x0;
	s5 =	sld [smem:$0x3FB4]  }
0x2b: {  	s6 =	sld [smem:$0x3FB5]  }
0x2c: {  	s7 =	sld [smem:$0x3FB6]  }
0x2d: {  	s3 =	simm.s32 $0x108;
	s8 =	sld [smem:$0x3FB7]  }
0x2e: {  	s3 =	simm.s32 @!p0 $0x1082;
	s9 =	sld [smem:$0x3FB8]  }
0x2f: {  	lr =	sadd.s32 s0, s3;
	s0 =	sld [smem:$0x3FAF]  }
0x30: {  	s3 =	sld [smem:$0x3FB2]  }
0x31: {  	[smem:$0x3FBB] =	sst s10  }
0x32: {  	s10 =	sld [smem:$0x3FB9];
	_ =	sdelay $0x3  }
0x33: {  	p0 =	seq.s32 s10, $0x1;
	s10 =	sld [smem:$0x3FBB];
	_ =	sdelay $0x3  }
0x34: {  	[smem:$0x3FBB] =	sst s10  }
0x35: {  	s10 =	sld [smem:$0x3FBA];
	_ =	sdelay $0x3  }
0x36: {  	p1 =	seq.s32 s10, $0x1;
	s10 =	sld [smem:$0x3FBB];
	_ =	sdelay $0x3  }
0x37: {  	[smem:$0x3FBB] =	sst s10  }
0x38: {  	s10 =	sld [smem:$0x3FBC]  }
0x39: {  	_ = 	snop;
	(pc) =	sbr.ind lr, $3  }
0x3a: {  	_ = 	snop  }
0x3b: {  	_ = 	snop  }
0x3c: {  	p2 =	seq.s32 s10, $0x1;
	s10 =	sld [smem:$0x3FBB]  }
0x3d: {  	_ =	shalt  }
0x3e: {  	_ =	shalt  }
0x3f: {  	_ =	shalt  }
0x40: {  	_ =	shalt  }
0x41: {  	_ =	shalt  }
0x42: {  	_ =	shalt  }
0x43: {  	_ =	shalt  }
0x44: {  	_ =	shalt  }
0x45: {  	_ =	shalt  }
0x46: {  	_ =	shalt  }
0x47: {  	_ =	shalt  }
0x48: {  	_ =	shalt  }
0x49: {  	_ =	shalt  }
0x4a: {  	_ =	shalt  }
0x4b: {  	_ =	shalt  }
0x4c: {  	_ =	shalt  }
0x4d: {  	_ =	shalt  }
0x4e: {  	_ =	shalt  }
0x4f: {  	_ =	shalt  }
0x50: {  	_ =	shalt  }
0x51: {  	_ =	shalt  }
0x52: {  	_ =	shalt  }
0x53: {  	_ =	shalt  }
0x54: {  	_ =	shalt  }
0x55: {  	_ =	shalt  }
0x56: {  	_ =	shalt  }
0x57: {  	_ =	shalt  }
0x58: {  	_ =	shalt  }
0x59: {  	_ =	shalt  }
0x5a: {  	_ =	shalt  }
0x5b: {  	_ =	shalt  }
0x5c: {  	_ =	shalt  }
0x5d: {  	_ =	shalt  }
0x5e: {  	_ =	shalt  }
0x5f: {  	_ =	shalt  }
0x60: {  	_ =	shalt  }
0x61: {  	_ =	shalt  }
0x62: {  	_ =	shalt  }
0x63: {  	_ =	shalt  }
0x64: {  	_ =	shalt  }
0x65: {  	_ =	shalt  }
0x66: {  	_ =	shalt  }
0x67: {  	_ =	shalt  }
0x68: {  	_ =	shalt  }
0x69: {  	_ =	shalt  }
0x6a: {  	_ =	shalt  }
0x6b: {  	_ =	shalt  }
0x6c: {  	_ =	shalt  }
0x6d: {  	_ =	shalt  }
0x6e: {  	_ =	shalt  }
0x6f: {  	_ =	shalt  }
0x70: {  	_ =	shalt  }
0x71: {  	_ =	shalt  }
0x72: {  	_ =	shalt  }
0x73: {  	_ =	shalt  }
0x74: {  	_ =	shalt  }
0x75: {  	_ =	shalt  }
0x76: {  	_ =	shalt  }
0x77: {  	_ =	shalt  }
0x78: {  	_ =	shalt  }
0x79: {  	_ =	shalt  }
0x7a: {  	_ =	shalt  }
0x7b: {  	_ =	shalt  }
0x7c: {  	_ =	shalt  }
0x7d: {  	_ =	shalt  }
0x7e: {  	_ =	shalt  }
0x7f: {  	_ =	shalt  }
0x80: {  	_ =	shalt  }
0x81: {  	_ =	shalt  }
0x82: {  	_ =	shalt  }
0x83: {  	_ =	shalt  }
0x84: {  	_ =	shalt  }
0x85: {  	_ =	shalt  }
0x86: {  	_ =	shalt  }
0x87: {  	_ =	shalt  }
.Lfunc_end0:
.L_simem_size_0:
called_computation_lowered:
.L_overlay_start_0:
0x88: {  	s2 =	sld [smem:$0x3FD9]  }
0x89: {  	s3 =	sld [smem:$0x3FFE];
	_ =	sdelay $0x1  }
0x8a: {  	s1 =	srdreg.scid  }
0x8b: {  	s0 =	sand.u32 $0x1, s1  }
0x8c: {  	s16 =	sshll.u32 s0, $0xA;
	s2 =	sadd.s32 s3, s2  }
0x8d: {  	s2 =	sadd.s32 s2, s16  }
0x8e: {  	[smem:$0x3FC7] =	sst s2  }
0x8f: {  	_ = 	snop  }
0x90: {  	(tm) =	ssettm $0x1  }
0x91: {  	s17 =	sld [smem:$0x3FFB];
	_ =	sdelay $0x3  }
0x92: {  	_ =	strace s17  }
0x93: {  	s2 =	sld [smem:$0x3FFC];
	_ =	sdelay $0x3  }
0x94: {  	_ =	strace s2  }
0x95: {  	s2 =	sld [smem:$0x3FFD];
	_ =	sdelay $0x3  }
0x96: {  	_ =	strace s2  }
0x97: {  	_ =	strace $0x8FFFFFFF  }
0x98: {  	s18 =	sld [smem:$0x3FDB];
	_ =	sdelay $0x1  }
0x99: {  	s19 =	simm.s32 $_scs_section_size  }
0x9a: {  	s4 =	simm.s32 $_size__tile_overlayer_lowered;
	s5 =	simm.s32 $_tile_overlayer_lowered  }
0x9b: {  	s22 =	simm.s32 $0x1BFF;
	s21 =	sshll.u32 s5, $0x1;
	s2 =	sadd.s32 s19, s18  }
0x9c: {  	s6 =	simm.s32 $0x0;
	s20 =	sshll.u32 s4, $0x1;
	s4 =	sadd.s32 s21, s2  }
0x9d: {  	[timem:s6], [sflag:s22] =	dma.local [hbm:s4], s20  }
0x9e: {  	_ =	swait.ge [sflag:s22], s20  }
0x9f: {  	s3 =	ssub.s32 $0x0, s20;
	[sflag:s22] =	ssyncset.done $0x0  }
0xa0: {  	[sflag:s22] =	ssyncadd.s32 s3;
	_ =	sdelay $0x1  }
0xa1: {  	s23 =	simm.s32 $0x1B8B  }
0xa2: {  	_ =	swait.ge [sflag:s23], $0x1  }
0xa3: {  	[sflag:s23] =	ssyncset.done $0x0  }
0xa4: {  	s25 =	simm.s32 $0x1B8E;
	s24 =	sld [smem:$0x3FFE];
	[sflag:s23] =	ssyncadd.s32 $0xFFFFFFFF  }
0xa5: {  	s26 =	simm.s32 $execute0_lowered;
	[smem:$0x3FD2] =	sst s25  }
0xa6: {  	s4 =	sshll.u32 s26, $0x1;
	_ =	strace $0x80000046;
	[dreg:$0x1] =	wrdreg $0xFFFFFFFF  }
0xa7: {  	s28 =	simm.s32 $_size_execute0_lowered;
	s2 =	sadd.s32 s2, s4;
	[dreg:$0x0] =	wrdreg $0x0  }
0xa8: {  	s4 =	sshll.u32 s28, $0x1;
	[dreg:$0x2] =	wrdreg s2  }
0xa9: {  	[dreg:$0x3] =	wrdreg s4  }
0xaa: {  	[dreg:$0x4] =	wrdreg $0xC0  }
0xab: {  	_ =	task [dreg:s6], $0x5FFFF  }
0xac: {  	[dreg:$0x1] =	wrdreg $0xFFFFFFFF  }
0xad: {  	[dreg:$0x0] =	wrdreg $0x60  }
0xae: {  	[dreg:$0x2] =	wrdreg s24  }
0xaf: {  	[dreg:$0x3] =	wrdreg $0x9  }
0xb0: {  	_ =	task.clear_ibuf [dreg:s6], $0x4FFFF;
	_ =	strace $0x90000046  }
0xb1: {  	s29 =	simm.s32 $0x9;
	_ =	strace $0x8000004C  }
0xb2: {  	_ =	swait.ge [sflag:s29], $0x1  }
0xb3: {  	[sflag:s29] =	ssyncadd.s32 $0xFFFFFFFF  }
0xb4: {  	_ =	strace $0x9000004C  }
0xb5: {  	_ =	sfence  }
0xb6: {  	s30 =	sld [smem:$0x0];
	_ =	sdelay $0x2  }
0xb7: {  	s31 =	sshll.u32 s1, $0xD;
	s1 =	sshrl.u32 s1, $0x2  }
0xb8: {  	s3 =	sand.u32 $0x4000, s31;
	s1 =	sadd.s32 s1, s30  }
0xb9: {  	s0 =	sor.u32 s3, s0;
	s1 =	sshll.u32 s1, $0x11  }
0xba: {  	s0 =	sor.u32 s1, s0  }
0xbb: {  	s0 =	sadd.s32 $0x8F2B, s0  }
0xbc: {  	[sflag:s0] =	ssyncadd.remote.s32 $0x1  }
0xbd: {  	_ =	sfence.sel $0xFFFF  }
0xbe: {  	[dreg:$0x0] =	wrdreg $0xFFFFFFFF;
	(pc) =	sbr.abs _section_cstart, $3  }
0xbf: {  	[dreg:$0x1] =	wrdreg $0xFFFFFFFF  }
0xc0: {  	_ =	task.clear_ibuf [dreg:s6], $0x2FFFF;
	_ =	strace $0x9FFFFFFF  }
0xc1: {  	(tm) =	ssettm $0x7FFFFFFF  }
tec
execute0_lowered:
.L_overlay_start_1:
0x0: {  	(tag) =	ssettag $0x1  }
0x1: {  	s4 =	rddreg [dreg:$0x0];
	s1 =	srdreg.scid  }
0x2: {  	s0 =	rddreg [dreg:$0x1];
	s2 =	simm.s32 $0x0;
	s9 =	simm.s32 $0x400  }
0x3: {  	s10 =	simm.s32 $0x1000;
	s11 =	simm.s32 $0x1;
	s12 =	simm.s32 $0x0  }
0x4: {  	s3 =	sand.u32 $0x1, s1;
	[smem:$0x7FF] =	sst s2;
	s1 =	stileid.u32  }
0x5: {  	s5 =	sshll.u32 s3, $0x4;
	_ =	strace $0x80000047;
	s6 =	ssub.s32 $0x2, s3  }
0x6: {  	s3 =	sadd.s32 $0x600, s4;
	s5 =	sor.u32 s1, s5;
	s8 =	sshrl.u32 s6, $0x1  }
0x7: {  	s7 =	sshll.u32 s5, $0x9;
	s8 =	ssub.s32 s6, s8;
	s31 =	sshll.u32 s5, $0x12  }
0x8: {  	s5 =	sshll.u32 s5, $0x15;
	s7 =	sadd.s32 s7, s4;
	s4 =	sadd.s32 s3, s31  }
0x9: {  	v0 =	vimm.s32 $0x0;
	v1 =	vlaneseq.u32;
	v2 =	vimm.s32 $0x1;
	s6 =	sadd.s32 $0x800600, s7;
	s7 =	smax.u32 s8, $0x1;
	s8 =	simm.s32 $0x80  }
.LBB2_1:
0xa: {  	[tilespmem:$0x0] =	vst v0  }
0xb: {  	[tilespmem:$0x80] =	vst v0  }
0xc: {  	[tilespmem:$0x100] =	vst v0  }
0xd: {  	[tilespmem:$0x180] =	vst v0  }
0xe: {  	[tilespmem:$0x200] =	vst v0  }
0xf: {  	[tilespmem:$0x280] =	vst v0  }
0x10: {  	[tilespmem:$0x300] =	vst v0  }
0x11: {  	[tilespmem:$0x380] =	vst v0  }
0x12: {  	[tilespmem:$0x400] =	vst v0  }
0x13: {  	[tilespmem:$0x480] =	vst v0  }
0x14: {  	[tilespmem:$0x500] =	vst v0  }
0x15: {  	[tilespmem:$0x580] =	vst v0  }
0x16: {  	[tilespmem:$0x600] =	vst v0  }
0x17: {  	[tilespmem:$0x680] =	vst v0  }
0x18: {  	[tilespmem:$0x700] =	vst v0  }
0x19: {  	[tilespmem:$0x780] =	vst v0  }
0x1a: {  	[tilespmem:$0x800] =	vst v0  }
0x1b: {  	[tilespmem:$0x880] =	vst v0  }
0x1c: {  	[tilespmem:$0x900] =	vst v0  }
0x1d: {  	[tilespmem:$0x980] =	vst v0  }
0x1e: {  	[tilespmem:$0xA00] =	vst v0  }
0x1f: {  	[tilespmem:$0xA80] =	vst v0  }
0x20: {  	[tilespmem:$0xB00] =	vst v0  }
0x21: {  	[tilespmem:$0xB80] =	vst v0  }
0x22: {  	[tilespmem:$0xC00] =	vst v0  }
0x23: {  	[tilespmem:$0xC80] =	vst v0  }
0x24: {  	[tilespmem:$0xD00] =	vst v0  }
0x25: {  	[tilespmem:$0xD80] =	vst v0  }
0x26: {  	[tilespmem:$0xE00] =	vst v0  }
0x27: {  	[tilespmem:$0xE80] =	vst v0  }
0x28: {  	s13 =	simm.s32 $0x0;
	s14 =	simm.s32 $0x0;
	_ =	strace $0x80000048  }
0x29: {  	[tilespmem:s10], [sflag:$0x1] =	stream.strided.gather [hbm4b:s4+s8], $0x4000, s9, s8, $0x200038;
	[tilespmem:$0x9000] =	vst v63  }
0x2a: {  	s15 =	simm.s32 $0x1;
	s16 =	simm.s32 $0x0;
	_ =	strace $0x90000048  }
.LBB2_2:
0x2b: {  	s17 =	smov.u32 s13;
	s13 =	sadd.s32 $0x1, s13  }
0x2c: {  	p0 =	seq.s32 s13, $0x80  }
0x2d: {  	s13 =	simm.s32 @p0 $0x0  }
0x2e: {  	p6 =	sne.s32 s16, $0x7F;
	p1 =	sne.s32 s17, s13  }
0x2f: {  	p0 =	por !p6, !p1  }
0x30: {  	p0 =	por !p0, !p0  }
0x31: {  	s17 =	sshll.u32 @p0 s13, $0xE  }
0x32: {  	s18 =	sshll.u32 @p0 s13, $0x7;
	s17 =	sadd.s32 @p0 s5, s17  }
0x33: {  	s19 =	sand.u32 @p0 $0x1, s15;
	s18 =	sand.u32 @p0 $0x380, s18;
	s17 =	sand.u32 @p0 $0xFFFE0000, s17  }
0x34: {  	_ =	strace @p0 $0x80000049;
	s20 =	simm.s32 @p0 $0x80;
	s17 =	sor.u32 @p0 s18, s17  }
0x35: {  	s21 =	simm.s32 @p0 $0x400;
	s18 =	sshll.u32 @p0 s19, $0xE;
	s17 =	sshrl.u32 @p0 s17, $0x3  }
0x36: {  	s19 =	sadd.s32 @p0 $0x1, s19;
	s18 =	sor.u32 @p0 $0x1000, s18;
	s17 =	sadd.s32 @p0 s3, s17  }
0x37: {  	[tilespmem:s18], [sflag:s19] =	stream.strided.gather @p0 [hbm4b:s17+s20], $0x4000, s21, s20, $0x200038;
	[tilespmem:$0x9000] =	vst v63  }
0x38: {  	s30 =	sand.u32 $0x1, s14;
	_ =	strace @p0 $0x90000049  }
0x39: {  	s31 =	sadd.s32 $0x1, s30;
	_ =	strace $0x8000004A  }
0x3a: {  	_ =	swait.ge [sflag:s31], $0x4000  }
0x3b: {  	[sflag:s31] =	ssyncset.done $0x0  }
0x3c: {  	[sflag:s31] =	ssyncadd.s32 $0xFFFFC000  }
0x3d: {  	s17 =	sshll.u32 s30, $0xE;
	_ =	strace $0x9000004A  }
0x3e: {  	s18 =	simm.s32 $0xFFFFFFF0;
	s17 =	sor.u32 $0x1080, s17;
	_ =	strace $0x8000004B  }
.LBB2_3:
0x3f: {  	v3 =	vld [tilespmem:s17+$0xFFFFFF80];
	_ =	sdelay $0x4  }
0x40: {  	v3 =	vadd.f32 $1.000000950e+00, v3;
	_ =	sdelay $0x1  }
0x41: {  	v3 =	vmul.f32 $1.450000000e+01, v3;
	_ =	sdelay $0x1  }
0x42: {  	v3 =	vtrunc.f32 v3  }
0x43: {  	v3 =	vcvt.f32.s32 v3;
	_ =	sdelay $0x1  }
0x44: {  	v3 =	vshll.u32 v3, $0x7  }
0x45: {  	v3 =	vor.u32 v1, v3;
	_ =	sdelay $0x4  }
0x46: {  	[tilespmem:v3+s2+$0x0] =	vst.idx.add.s32.msk $0xffff, v2  }
0x47: {  	v3 =	vld [tilespmem:s17+$0xFFFFFF90];
	_ =	sdelay $0x4  }
0x48: {  	v3 =	vadd.f32 $1.000000950e+00, v3;
	_ =	sdelay $0x1  }
0x49: {  	v3 =	vmul.f32 $1.450000000e+01, v3;
	_ =	sdelay $0x1  }
0x4a: {  	v3 =	vtrunc.f32 v3  }
0x4b: {  	v3 =	vcvt.f32.s32 v3;
	_ =	sdelay $0x1  }
0x4c: {  	v3 =	vshll.u32 v3, $0x7  }
0x4d: {  	v3 =	vor.u32 v1, v3;
	_ =	sdelay $0x4  }
0x4e: {  	[tilespmem:v3+s2+$0x0] =	vst.idx.add.s32.msk $0xffff, v2  }
0x4f: {  	v3 =	vld [tilespmem:s17+$0xFFFFFFA0];
	_ =	sdelay $0x4  }
0x50: {  	v3 =	vadd.f32 $1.000000950e+00, v3;
	_ =	sdelay $0x1  }
0x51: {  	v3 =	vmul.f32 $1.450000000e+01, v3;
	_ =	sdelay $0x1  }
0x52: {  	v3 =	vtrunc.f32 v3  }
0x53: {  	v3 =	vcvt.f32.s32 v3;
	_ =	sdelay $0x1  }
0x54: {  	v3 =	vshll.u32 v3, $0x7  }
0x55: {  	v3 =	vor.u32 v1, v3;
	_ =	sdelay $0x4  }
0x56: {  	[tilespmem:v3+s2+$0x0] =	vst.idx.add.s32.msk $0xffff, v2  }
0x57: {  	v3 =	vld [tilespmem:s17+$0xFFFFFFB0];
	_ =	sdelay $0x4  }
0x58: {  	v3 =	vadd.f32 $1.000000950e+00, v3;
	_ =	sdelay $0x1  }
0x59: {  	v3 =	vmul.f32 $1.450000000e+01, v3;
	_ =	sdelay $0x1  }
0x5a: {  	v3 =	vtrunc.f32 v3  }
0x5b: {  	v3 =	vcvt.f32.s32 v3;
	_ =	sdelay $0x1  }
0x5c: {  	v3 =	vshll.u32 v3, $0x7  }
0x5d: {  	v3 =	vor.u32 v1, v3;
	_ =	sdelay $0x4  }
0x5e: {  	[tilespmem:v3+s2+$0x0] =	vst.idx.add.s32.msk $0xffff, v2  }
0x5f: {  	v3 =	vld [tilespmem:s17+$0xFFFFFFC0];
	_ =	sdelay $0x4  }
0x60: {  	v3 =	vadd.f32 $1.000000950e+00, v3;
	_ =	sdelay $0x1  }
0x61: {  	v3 =	vmul.f32 $1.450000000e+01, v3;
	_ =	sdelay $0x1  }
0x62: {  	v3 =	vtrunc.f32 v3  }
0x63: {  	v3 =	vcvt.f32.s32 v3;
	_ =	sdelay $0x1  }
0x64: {  	v3 =	vshll.u32 v3, $0x7  }
0x65: {  	v3 =	vor.u32 v1, v3;
	_ =	sdelay $0x4  }
0x66: {  	[tilespmem:v3+s2+$0x0] =	vst.idx.add.s32.msk $0xffff, v2  }
0x67: {  	v3 =	vld [tilespmem:s17+$0xFFFFFFD0];
	_ =	sdelay $0x4  }
0x68: {  	v3 =	vadd.f32 $1.000000950e+00, v3;
	_ =	sdelay $0x1  }
0x69: {  	v3 =	vmul.f32 $1.450000000e+01, v3;
	_ =	sdelay $0x1  }
0x6a: {  	v3 =	vtrunc.f32 v3  }
0x6b: {  	v3 =	vcvt.f32.s32 v3;
	_ =	sdelay $0x1  }
0x6c: {  	v3 =	vshll.u32 v3, $0x7  }
0x6d: {  	v3 =	vor.u32 v1, v3;
	_ =	sdelay $0x4  }
0x6e: {  	[tilespmem:v3+s2+$0x0] =	vst.idx.add.s32.msk $0xffff, v2  }
0x6f: {  	v3 =	vld [tilespmem:s17+$0xFFFFFFE0];
	_ =	sdelay $0x4  }
0x70: {  	v3 =	vadd.f32 $1.000000950e+00, v3;
	_ =	sdelay $0x1  }
0x71: {  	v3 =	vmul.f32 $1.450000000e+01, v3;
	_ =	sdelay $0x1  }
0x72: {  	v3 =	vtrunc.f32 v3  }
0x73: {  	v3 =	vcvt.f32.s32 v3;
	_ =	sdelay $0x1  }
0x74: {  	v3 =	vshll.u32 v3, $0x7  }
0x75: {  	v3 =	vor.u32 v1, v3;
	_ =	sdelay $0x4  }
0x76: {  	[tilespmem:v3+s2+$0x0] =	vst.idx.add.s32.msk $0xffff, v2  }
0x77: {  	v3 =	vld [tilespmem:s17+$0xFFFFFFF0];
	_ =	sdelay $0x4  }
0x78: {  	v3 =	vadd.f32 $1.000000950e+00, v3;
	_ =	sdelay $0x1  }
0x79: {  	v3 =	vmul.f32 $1.450000000e+01, v3;
	_ =	sdelay $0x1  }
0x7a: {  	v3 =	vtrunc.f32 v3  }
0x7b: {  	v3 =	vcvt.f32.s32 v3;
	_ =	sdelay $0x1  }
0x7c: {  	v3 =	vshll.u32 v3, $0x7  }
0x7d: {  	v3 =	vor.u32 v1, v3;
	_ =	sdelay $0x4  }
0x7e: {  	[tilespmem:v3+s2+$0x0] =	vst.idx.add.s32.msk $0xffff, v2  }
0x7f: {  	v3 =	vld [tilespmem:s17+$0x0];
	_ =	sdelay $0x4  }
0x80: {  	v3 =	vadd.f32 $1.000000950e+00, v3;
	_ =	sdelay $0x1  }
0x81: {  	v3 =	vmul.f32 $1.450000000e+01, v3;
	_ =	sdelay $0x1  }
0x82: {  	v3 =	vtrunc.f32 v3  }
0x83: {  	v3 =	vcvt.f32.s32 v3;
	_ =	sdelay $0x1  }
0x84: {  	v3 =	vshll.u32 v3, $0x7  }
0x85: {  	v3 =	vor.u32 v1, v3;
	_ =	sdelay $0x4  }
0x86: {  	[tilespmem:v3+s2+$0x0] =	vst.idx.add.s32.msk $0xffff, v2  }
0x87: {  	v3 =	vld [tilespmem:s17+$0x10];
	_ =	sdelay $0x4  }
0x88: {  	v3 =	vadd.f32 $1.000000950e+00, v3;
	_ =	sdelay $0x1  }
0x89: {  	v3 =	vmul.f32 $1.450000000e+01, v3;
	_ =	sdelay $0x1  }
0x8a: {  	v3 =	vtrunc.f32 v3  }
0x8b: {  	v3 =	vcvt.f32.s32 v3;
	_ =	sdelay $0x1  }
0x8c: {  	v3 =	vshll.u32 v3, $0x7  }
0x8d: {  	v3 =	vor.u32 v1, v3;
	_ =	sdelay $0x4  }
0x8e: {  	[tilespmem:v3+s2+$0x0] =	vst.idx.add.s32.msk $0xffff, v2  }
0x8f: {  	v3 =	vld [tilespmem:s17+$0x20];
	_ =	sdelay $0x4  }
0x90: {  	v3 =	vadd.f32 $1.000000950e+00, v3;
	_ =	sdelay $0x1  }
0x91: {  	v3 =	vmul.f32 $1.450000000e+01, v3;
	_ =	sdelay $0x1  }
0x92: {  	v3 =	vtrunc.f32 v3  }
0x93: {  	v3 =	vcvt.f32.s32 v3;
	_ =	sdelay $0x1  }
0x94: {  	v3 =	vshll.u32 v3, $0x7  }
0x95: {  	v3 =	vor.u32 v1, v3;
	_ =	sdelay $0x4  }
0x96: {  	[tilespmem:v3+s2+$0x0] =	vst.idx.add.s32.msk $0xffff, v2  }
0x97: {  	v3 =	vld [tilespmem:s17+$0x30];
	_ =	sdelay $0x4  }
0x98: {  	v3 =	vadd.f32 $1.000000950e+00, v3;
	_ =	sdelay $0x1  }
0x99: {  	v3 =	vmul.f32 $1.450000000e+01, v3;
	_ =	sdelay $0x1  }
0x9a: {  	v3 =	vtrunc.f32 v3  }
0x9b: {  	v3 =	vcvt.f32.s32 v3;
	_ =	sdelay $0x1  }
0x9c: {  	v3 =	vshll.u32 v3, $0x7  }
0x9d: {  	v3 =	vor.u32 v1, v3;
	_ =	sdelay $0x4  }
0x9e: {  	[tilespmem:v3+s2+$0x0] =	vst.idx.add.s32.msk $0xffff, v2  }
0x9f: {  	v3 =	vld [tilespmem:s17+$0x40];
	_ =	sdelay $0x4  }
0xa0: {  	v3 =	vadd.f32 $1.000000950e+00, v3;
	_ =	sdelay $0x1  }
0xa1: {  	v3 =	vmul.f32 $1.450000000e+01, v3;
	_ =	sdelay $0x1  }
0xa2: {  	v3 =	vtrunc.f32 v3  }
0xa3: {  	v3 =	vcvt.f32.s32 v3;
	_ =	sdelay $0x1  }
0xa4: {  	v3 =	vshll.u32 v3, $0x7  }
0xa5: {  	v3 =	vor.u32 v1, v3;
	_ =	sdelay $0x4  }
0xa6: {  	[tilespmem:v3+s2+$0x0] =	vst.idx.add.s32.msk $0xffff, v2  }
0xa7: {  	v3 =	vld [tilespmem:s17+$0x50];
	_ =	sdelay $0x4  }
0xa8: {  	v3 =	vadd.f32 $1.000000950e+00, v3;
	_ =	sdelay $0x1  }
0xa9: {  	v3 =	vmul.f32 $1.450000000e+01, v3;
	_ =	sdelay $0x1  }
0xaa: {  	v3 =	vtrunc.f32 v3  }
0xab: {  	v3 =	vcvt.f32.s32 v3;
	_ =	sdelay $0x1  }
0xac: {  	v3 =	vshll.u32 v3, $0x7  }
0xad: {  	v3 =	vor.u32 v1, v3;
	_ =	sdelay $0x4  }
0xae: {  	[tilespmem:v3+s2+$0x0] =	vst.idx.add.s32.msk $0xffff, v2  }
0xaf: {  	v3 =	vld [tilespmem:s17+$0x60];
	_ =	sdelay $0x4  }
0xb0: {  	v3 =	vadd.f32 $1.000000950e+00, v3;
	_ =	sdelay $0x1  }
0xb1: {  	v3 =	vmul.f32 $1.450000000e+01, v3;
	_ =	sdelay $0x1  }
0xb2: {  	v3 =	vtrunc.f32 v3  }
0xb3: {  	v3 =	vcvt.f32.s32 v3;
	_ =	sdelay $0x1  }
0xb4: {  	v3 =	vshll.u32 v3, $0x7  }
0xb5: {  	v3 =	vor.u32 v1, v3;
	_ =	sdelay $0x4  }
0xb6: {  	[tilespmem:v3+s2+$0x0] =	vst.idx.add.s32.msk $0xffff, v2  }
0xb7: {  	v3 =	vld [tilespmem:s17+$0x70];
	_ =	sdelay $0x4  }
0xb8: {  	v3 =	vadd.f32 $1.000000950e+00, v3;
	_ =	sdelay $0x1  }
0xb9: {  	v3 =	vmul.f32 $1.450000000e+01, v3;
	_ =	sdelay $0x1  }
0xba: {  	v3 =	vtrunc.f32 v3  }
0xbb: {  	v3 =	vcvt.f32.s32 v3;
	_ =	sdelay $0x1  }
0xbc: {  	s18 =	sadd.s32 $0x10, s18;
	v3 =	vshll.u32 v3, $0x7  }
0xbd: {  	p2 =	slt.u32 s18, $0x3F0;
	v3 =	vor.u32 v1, v3  }
.Ltmp0:
0xbe: {  	_ = 	snop;
	(pc) =	sbr.rel @p2 .LBB2_3-.Ltmp0, $2  }
0xbf: {  	_ =	sdelay $0x2  }
0xc0: {  	s17 =	sadd.s32 $0x100, s17;
	[tilespmem:v3+s2+$0x0] =	vst.idx.add.s32.msk $0xffff, v2  }
0xc1: {  	p2 =	seq.s32 s16, $0x7F;
	s17 =	simm.s32 $0x1;
	s16 =	sadd.s32 $0x1, s16  }
0xc2: {  	s17 =	simm.s32 @!p0 $0x0;
	p0 =	sne.s32 s16, $0x80  }
.Ltmp1:
0xc3: {  	_ = 	snop;
	(pc) =	sbr.rel @p0 .LBB2_2-.Ltmp1, $4  }
0xc4: {  	_ = 	snop  }
0xc5: {  	s18 =	simm.s32 $0x1;
	p1 =	por p2, p1  }
0xc6: {  	s18 =	simm.s32 @!p1 $0x0  }
0xc7: {  	_ =	strace $0x9000004B;
	s15 =	sadd.s32 s17, s15;
	s14 =	sadd.s32 s18, s14  }
0xc8: {  	s12 =	sadd.s32 $0x1, s12  }
0xc9: {  	p0 =	sne.s32 s12, s7  }
.Ltmp2:
0xca: {  	_ = 	snop;
	(pc) =	sbr.rel @p0 .LBB2_1-.Ltmp2, $4  }
0xcb: {  	[hbm4b:s6+s2] =	stream.linear.scatter [tilespmem:s2], [sflag:$0x1], $0xF00, $0x38;
	[tilespmem:$0x9000] =	vst v63  }
0xcc: {  	_ =	swait.ge [sflag:s11], $0xF00  }
0xcd: {  	[sflag:s11] =	ssyncset.done $0x0  }
0xce: {  	[sflag:s11] =	ssyncadd.s32 $0xFFFFF100  }
0xcf: {  	_ =	sfence.sel $0x180000  }
0xd0: {  	[bflag:$0x0] =	sbarrier.arrive $0xFFFF  }
0xd1: {  	p0 =	sne.s32 s1, $0x0;
	_ =	strace $0x90000047  }
0xd2: {  	s0 =	sadd.s32 @!p0 $0x100000, s0;
	[bflag:$0x2] =	sbarrier.arrive $0xFFFF  }
0xd3: {  	[sflag:s0] =	ssyncadd.tile.s32 @!p0 $0x1;
	_ =	shalt  }
.Lfunc_end2:
_tile_overlayer_lowered:
.L_overlay_start_2:
0xd4: {  	(tag) =	ssettag $0x2  }
0xd5: {  	s0 =	rddreg [dreg:$0x0];
	s2 =	stileid.u32  }
0xd6: {  	s1 =	rddreg [dreg:$0x1];
	p0 =	sne.s32 s2, $0x0  }
0xd7: {  	s3 =	rddreg [dreg:$0x2];
	[bflag:$0x3] =	sbarrier.arrive $0xFFFF;
	s2 =	simm.s32 @!p0 $0x1C01  }
0xd8: {  	[timem:s3], [sflag:s2] =	dma.local @!p0 [hbm:s0], s1  }
0xd9: {  	s0 =	simm.s32 @!p0 $0x1  }
0xda: {  	_ =	swait.ge @!p0 [sflag:s0], s1  }
0xdb: {  	s1 =	ssub.s32 @!p0 $0x0, s1;
	[sflag:s0] =	ssyncset.done @!p0 $0x0  }
0xdc: {  	[sflag:s0] =	ssyncadd.s32 @!p0 s1  }
0xdd: {  	[bflag:$0x3] =	sbarrier.arrive $0xFFFF  }
0xde: {  	_ =	shalt  }

</sc_bundles>
